<compile_context>
chip_gen: v7x
topology: tpu7x:2x2x1
jax: 0.10.2.dev20260603
libtpu: 0.0.44.dev20260713+nightly
codegen_flags: <defaults>
</compile_context>

<pallas_src>
import functools

import jax
import jax.numpy as jnp
from jax import lax
from jax.experimental import pallas as pl
from jax.experimental.pallas import tpu as pltpu, tpu_sc as plsc

N = 10000
E = 320000
D = 128

NC = 2
NS = 16
NW = NC * NS

NPAD = 10240
CHUNK = 80
NBUF = 4
CHUNKS_PER_TILE = 128
EPAD = NW * CHUNKS_PER_TILE * CHUNK
ROWS_PER_TILE = NPAD // NS


def _sc_segment_sum(features, edges3, zrows, zflat, ones_row):
    mesh = plsc.VectorSubcoreMesh(
        core_axis_name="c", subcore_axis_name="s",
        num_cores=NC, num_subcores=NS)

    @functools.partial(
        pl.kernel,
        out_type=(
            jax.ShapeDtypeStruct((NC, NPAD, D), jnp.float32),
            jax.ShapeDtypeStruct((NC, NPAD), jnp.float32),
        ),
        mesh=mesh,
        scratch_types=[
            [pltpu.VMEM((CHUNK,), jnp.int32)] * NBUF,
            [pltpu.VMEM((CHUNK,), jnp.int32)] * NBUF,
            [pltpu.VMEM((CHUNK, D), jnp.float32)] * NBUF,
            pltpu.VMEM((CHUNK,), jnp.float32),
            pltpu.VMEM_SHARED((NPAD, D), jnp.float32),
            pltpu.VMEM_SHARED((NPAD,), jnp.float32),
            [pltpu.SemaphoreType.DMA] * NBUF,
        ],
    )
    def sc_kernel(feat_hbm, e3_hbm, zrows_hbm, zflat_hbm, ones_hbm,
                  h1p_hbm, degp_hbm,
                  src_r, dst_r, rows_r, ones_v, h1_acc, deg_acc, sem_r):
        c = lax.axis_index("c")
        s = lax.axis_index("s")
        tid = c * NS + s
        row0 = s * ROWS_PER_TILE
        chunk0 = tid * CHUNKS_PER_TILE
        last = chunk0 + CHUNKS_PER_TILE - 1

        def fetch(row, b):
            pltpu.sync_copy(e3_hbm.at[0, row], src_r[b])
            pltpu.sync_copy(e3_hbm.at[1, row], dst_r[b])
            pltpu.async_copy(feat_hbm.at[src_r[b]], rows_r[b], sem_r[b])

        def scat(b):
            pltpu.sync_copy(rows_r[b], h1_acc.at[dst_r[b]], add=True)
            pltpu.sync_copy(ones_v, deg_acc.at[dst_r[b]], add=True)

        for b in range(NBUF - 1):
            fetch(chunk0 + b, b)

        pltpu.sync_copy(zrows_hbm.at[pl.ds(row0, ROWS_PER_TILE)],
                        h1_acc.at[pl.ds(row0, ROWS_PER_TILE)])
        pltpu.sync_copy(zflat_hbm.at[pl.ds(row0, ROWS_PER_TILE)],
                        deg_acc.at[pl.ds(row0, ROWS_PER_TILE)])
        pltpu.sync_copy(ones_hbm, ones_v)
        plsc.subcore_barrier()

        def step(i, _):
            cbase = chunk0 + NBUF * i
            for b in range(NBUF):
                pltpu.make_async_copy(
                    feat_hbm.at[src_r[b]], rows_r[b], sem_r[b]).wait()
                nxt = jnp.minimum(cbase + b + NBUF - 1, last)
                fetch(nxt, (b + NBUF - 1) % NBUF)
                scat(b)
            return _

        lax.fori_loop(0, CHUNKS_PER_TILE // NBUF, step, 0)
        for b in range(NBUF - 1):
            pltpu.make_async_copy(
                feat_hbm.at[src_r[b]], rows_r[b], sem_r[b]).wait()
        plsc.subcore_barrier()

        pltpu.sync_copy(h1_acc.at[pl.ds(row0, ROWS_PER_TILE)],
                        h1p_hbm.at[c, pl.ds(row0, ROWS_PER_TILE)])
        pltpu.sync_copy(deg_acc.at[pl.ds(row0, ROWS_PER_TILE)],
                        degp_hbm.at[c, pl.ds(row0, ROWS_PER_TILE)])

    return sc_kernel(features, edges3, zrows, zflat, ones_row)


BN = 1024


def _tc_dense(i_ref, h1p_ref, degp_ref, w0t_ref, b0_ref, w1t_ref, b1_ref,
              out_ref):
    x = i_ref[...]
    h0 = jnp.dot(x, w0t_ref[...], preferred_element_type=jnp.float32)
    h0 = h0 + b0_ref[...]
    hp = h1p_ref[0, :, :] + h1p_ref[1, :, :]
    dg = degp_ref[0, :] + degp_ref[1, :]
    din = 1.0 / jnp.maximum(dg, 1.0)
    h1 = hp * din[:, None]
    h1o = jnp.dot(h1, w1t_ref[...], preferred_element_type=jnp.float32)
    h1o = h1o + b1_ref[...]
    out_ref[...] = jnp.concatenate([h0, h1o], axis=1)


def kernel(features, edge_index, W0, b0, W1, b1):
    pad = EPAD - E
    epad = jnp.concatenate(
        [jnp.zeros((1, pad), jnp.int32),
         jnp.full((1, pad), NPAD - 1, jnp.int32)], axis=0)
    edges3 = jnp.concatenate([edge_index, epad], axis=1).reshape(2, EPAD // CHUNK, CHUNK)
    zrows = jnp.zeros((NPAD, D), jnp.float32)
    zflat = jnp.zeros((NPAD,), jnp.float32)
    ones_row = jnp.ones((CHUNK,), jnp.float32)

    h1p, degp = _sc_segment_sum(features, edges3, zrows, zflat, ones_row)

    grid = (NPAD // BN,)
    out = pl.pallas_call(
        _tc_dense,
        grid=grid,
        in_specs=[
            pl.BlockSpec((BN, D), lambda i: (i, 0)),
            pl.BlockSpec((NC, BN, D), lambda i: (0, i, 0)),
            pl.BlockSpec((NC, BN), lambda i: (0, i)),
            pl.BlockSpec((D, D), lambda i: (0, 0)),
            pl.BlockSpec((1, D), lambda i: (0, 0)),
            pl.BlockSpec((D, D), lambda i: (0, 0)),
            pl.BlockSpec((1, D), lambda i: (0, 0)),
        ],
        out_specs=pl.BlockSpec((BN, 2 * D), lambda i: (i, 0)),
        out_shape=jax.ShapeDtypeStruct((N, 2 * D), jnp.float32),
    )(features, h1p, degp, W0.T, b0.reshape(1, D), W1.T, b1.reshape(1, D))
    return out

# --- scband reference (transcript-rebuilt; emitter-appended) ---
"""Pipeline reference for scband-gcnlayer-43688407335088 (READ-ONLY COPY).

The authoritative reference and input builder live on the scoring server;
editing this copy changes nothing except your own understanding.
"""

import jax, jax.numpy as jnp
import numpy as np

N = 10000
E = 320000
D_IN = 128
D_OUT = 128


def setup_inputs(seed: int = 0) -> dict:
    key = jax.random.key(seed)
    k1, k2, k3, k4, k5, k6 = jax.random.split(key, 6)
    features = jax.random.normal(k1, (N, D_IN), dtype=jnp.float32)
    edge_index = jax.random.randint(k2, (2, E), 0, N, dtype=jnp.int32)
    s = 1.0 / np.sqrt(D_IN)
    W0 = jax.random.uniform(k3, (D_OUT, D_IN), dtype=jnp.float32, minval=-s, maxval=s)
    b0 = jax.random.uniform(k4, (D_OUT,), dtype=jnp.float32, minval=-s, maxval=s)
    W1 = jax.random.uniform(k5, (D_OUT, D_IN), dtype=jnp.float32, minval=-s, maxval=s)
    b1 = jax.random.uniform(k6, (D_OUT,), dtype=jnp.float32, minval=-s, maxval=s)
    return {"features": features, "edge_index": edge_index, "W0": W0, "b0": b0, "W1": W1, "b1": b1}


def reference(features, edge_index, W0, b0, W1, b1):
    # GCNLayer forward with order=1, dropout=0, act=None, batch_norm=False, aggr='concat'
    src = edge_index[0]
    dst = edge_index[1]
    # in-degree based normalization: D_in = 1 / clamp(in_degree, min=1)
    deg = jax.ops.segment_sum(jnp.ones((E,), dtype=jnp.float32), dst, num_segments=N)
    D_in = (1.0 / jnp.clip(deg, 1.0, None))[:, None]
    h_in = features  # dropout p=0 is identity
    # update_all(u_mul_e('h','w','m'), sum('m','h')) with w = ones -> scatter-add of h[src] into dst
    msg = jnp.take(h_in, src, axis=0)
    h1 = jax.ops.segment_sum(msg, dst, num_segments=N)
    h1 = h1 * D_in
    # feat_trans per hop (Linear only; act=None, batch_norm=False)
    h_part0 = h_in @ W0.T + b0
    h_part1 = h1 @ W1.T + b1
    # aggr == 'concat'
    h_out = jnp.concatenate([h_part0, h_part1], axis=1)
    return h_out

if __name__ == "__main__":
    import jax
    _d = setup_inputs()
    print(jax.jit(kernel)(*tuple(_d.values())))

</pallas_src>

<mosaic_0001>
#map = affine_map<(d0, d1) -> (0, 0)>
#map1 = affine_map<(d0, d1) -> (0, 0, 0)>
#map2 = affine_map<(d0, d1) -> (0)>
module attributes {stable_mosaic.version = 14 : i64} {
  func.func @sc_kernel(%arg0: i32, %arg1: i32, %arg2: memref<10000x128xf32, #tpu.memory_space<hbm>>, %arg3: memref<2x4096x80xi32, #tpu.memory_space<hbm>>, %arg4: memref<10240x128xf32, #tpu.memory_space<hbm>>, %arg5: memref<10240xf32, #tpu.memory_space<hbm>>, %arg6: memref<80xf32, #tpu.memory_space<hbm>>, %arg7: memref<2x10240x128xf32, #tpu.memory_space<hbm>>, %arg8: memref<2x10240xf32, #tpu.memory_space<hbm>>, %arg9: memref<80xi32, #tpu.memory_space<vmem>>, %arg10: memref<80xi32, #tpu.memory_space<vmem>>, %arg11: memref<80xi32, #tpu.memory_space<vmem>>, %arg12: memref<80xi32, #tpu.memory_space<vmem>>, %arg13: memref<80xi32, #tpu.memory_space<vmem>>, %arg14: memref<80xi32, #tpu.memory_space<vmem>>, %arg15: memref<80xi32, #tpu.memory_space<vmem>>, %arg16: memref<80xi32, #tpu.memory_space<vmem>>, %arg17: memref<80x128xf32, #tpu.memory_space<vmem>>, %arg18: memref<80x128xf32, #tpu.memory_space<vmem>>, %arg19: memref<80x128xf32, #tpu.memory_space<vmem>>, %arg20: memref<80x128xf32, #tpu.memory_space<vmem>>, %arg21: memref<80xf32, #tpu.memory_space<vmem>>, %arg22: memref<10240x128xf32, #tpu.memory_space<vmem_shared>>, %arg23: memref<10240xf32, #tpu.memory_space<vmem_shared>>, %arg24: memref<!tpu.dma_semaphore, #tpu.memory_space<semaphore_mem>>, %arg25: memref<!tpu.dma_semaphore, #tpu.memory_space<semaphore_mem>>, %arg26: memref<!tpu.dma_semaphore, #tpu.memory_space<semaphore_mem>>, %arg27: memref<!tpu.dma_semaphore, #tpu.memory_space<semaphore_mem>>) attributes {dimension_semantics = [#tpu.dimension_semantics<core_parallel>, #tpu.dimension_semantics<subcore_parallel>], iteration_bounds = array<i64: 2, 16>, scalar_prefetch = 0 : i64, scratch_operands = 19 : i64, tpu.core_type = #tpu.core_type<sc_vector_subcore>, window_params = [{transform_indices = #map}, {transform_indices = #map1}, {transform_indices = #map}, {transform_indices = #map2}, {transform_indices = #map2}, {transform_indices = #map1}, {transform_indices = #map}]} {
    %mul3A = arith.constant 16 : i32
    %mul3A_0 = arith.muli %arg0, %mul3A : i32
    %add3A = arith.addi %mul3A_0, %arg1 : i32
    %mul3A_1 = arith.constant 640 : i32
    %mul3A_2 = arith.muli %arg1, %mul3A_1 : i32
    %mul3A_3 = arith.constant 128 : i32
    %mul3A_4 = arith.muli %add3A, %mul3A_3 : i32
    %add3A_5 = arith.constant 128 : i32
    %add3A_6 = arith.addi %mul3A_4, %add3A_5 : i32
    %sub3A = arith.constant 1 : i32
    %sub3A_7 = arith.subi %add3A_6, %sub3A : i32
    %add3A_8 = arith.constant 0 : i32
    %add3A_9 = arith.addi %mul3A_4, %add3A_8 : i32
    %run_scoped3A = arith.constant 0 : i32
    "tpu.region"() ({
      %run_scoped3A_41 = tpu.sem_alloc : memref<!tpu.dma_semaphore, #tpu.memory_space<semaphore_mem>>
      %dma_start3A_42 = arith.constant 0 : i32
      %dma_start3A_43 = tpu.memref_slice %arg3[%run_scoped3A, %add3A_9, %dma_start3A_42] : memref<2x4096x80xi32, #tpu.memory_space<hbm>> -> memref<1x1x80xi32, #tpu.memory_space<hbm>>
      %dma_start3A_44 = tpu.memref_squeeze %dma_start3A_43 : memref<1x1x80xi32, #tpu.memory_space<hbm>> -> memref<80xi32, #tpu.memory_space<hbm>>
      %dma_start3A_45 = arith.constant 0 : i32
      %dma_start3A_46 = tpu.memref_slice %arg3[%run_scoped3A, %add3A_9, %dma_start3A_45] : memref<2x4096x80xi32, #tpu.memory_space<hbm>> -> memref<1x1x80xi32, #tpu.memory_space<hbm>>
      %dma_start3A_47 = tpu.memref_squeeze %dma_start3A_46 : memref<1x1x80xi32, #tpu.memory_space<hbm>> -> memref<80xi32, #tpu.memory_space<hbm>>
      tpu.enqueue_dma source(%dma_start3A_47 : memref<80xi32, #tpu.memory_space<hbm>>) target(%arg9 : memref<80xi32, #tpu.memory_space<vmem>>) target_semaphore(%run_scoped3A_41 : memref<!tpu.dma_semaphore, #tpu.memory_space<semaphore_mem>>)
      %dma_wait3A_48 = arith.constant 0 : i32
      %dma_wait3A_49 = tpu.memref_slice %arg3[%run_scoped3A, %add3A_9, %dma_wait3A_48] : memref<2x4096x80xi32, #tpu.memory_space<hbm>> -> memref<1x1x80xi32, #tpu.memory_space<hbm>>
      %dma_wait3A_50 = tpu.memref_squeeze %dma_wait3A_49 : memref<1x1x80xi32, #tpu.memory_space<hbm>> -> memref<80xi32, #tpu.memory_space<hbm>>
      %dma_wait3A_51 = arith.constant 0 : i32
      %dma_wait3A_52 = tpu.memref_slice %arg3[%run_scoped3A, %add3A_9, %dma_wait3A_51] : memref<2x4096x80xi32, #tpu.memory_space<hbm>> -> memref<1x1x80xi32, #tpu.memory_space<hbm>>
      %dma_wait3A_53 = tpu.memref_squeeze %dma_wait3A_52 : memref<1x1x80xi32, #tpu.memory_space<hbm>> -> memref<80xi32, #tpu.memory_space<hbm>>
      tpu.wait_dma2 semaphore(%run_scoped3A_41 : memref<!tpu.dma_semaphore, #tpu.memory_space<semaphore_mem>>) src(%dma_wait3A_53 : memref<80xi32, #tpu.memory_space<hbm>>) dst(%arg9 : memref<80xi32, #tpu.memory_space<vmem>>)
      tpu.yield
    }) : () -> ()
    %run_scoped3A_10 = arith.constant 1 : i32
    "tpu.region"() ({
      %run_scoped3A_41 = tpu.sem_alloc : memref<!tpu.dma_semaphore, #tpu.memory_space<semaphore_mem>>
      %dma_start3A_42 = arith.constant 0 : i32
      %dma_start3A_43 = tpu.memref_slice %arg3[%run_scoped3A_10, %add3A_9, %dma_start3A_42] : memref<2x4096x80xi32, #tpu.memory_space<hbm>> -> memref<1x1x80xi32, #tpu.memory_space<hbm>>
      %dma_start3A_44 = tpu.memref_squeeze %dma_start3A_43 : memref<1x1x80xi32, #tpu.memory_space<hbm>> -> memref<80xi32, #tpu.memory_space<hbm>>
      %dma_start3A_45 = arith.constant 0 : i32
      %dma_start3A_46 = tpu.memref_slice %arg3[%run_scoped3A_10, %add3A_9, %dma_start3A_45] : memref<2x4096x80xi32, #tpu.memory_space<hbm>> -> memref<1x1x80xi32, #tpu.memory_space<hbm>>
      %dma_start3A_47 = tpu.memref_squeeze %dma_start3A_46 : memref<1x1x80xi32, #tpu.memory_space<hbm>> -> memref<80xi32, #tpu.memory_space<hbm>>
      tpu.enqueue_dma source(%dma_start3A_47 : memref<80xi32, #tpu.memory_space<hbm>>) target(%arg13 : memref<80xi32, #tpu.memory_space<vmem>>) target_semaphore(%run_scoped3A_41 : memref<!tpu.dma_semaphore, #tpu.memory_space<semaphore_mem>>)
      %dma_wait3A_48 = arith.constant 0 : i32
      %dma_wait3A_49 = tpu.memref_slice %arg3[%run_scoped3A_10, %add3A_9, %dma_wait3A_48] : memref<2x4096x80xi32, #tpu.memory_space<hbm>> -> memref<1x1x80xi32, #tpu.memory_space<hbm>>
      %dma_wait3A_50 = tpu.memref_squeeze %dma_wait3A_49 : memref<1x1x80xi32, #tpu.memory_space<hbm>> -> memref<80xi32, #tpu.memory_space<hbm>>
      %dma_wait3A_51 = arith.constant 0 : i32
      %dma_wait3A_52 = tpu.memref_slice %arg3[%run_scoped3A_10, %add3A_9, %dma_wait3A_51] : memref<2x4096x80xi32, #tpu.memory_space<hbm>> -> memref<1x1x80xi32, #tpu.memory_space<hbm>>
      %dma_wait3A_53 = tpu.memref_squeeze %dma_wait3A_52 : memref<1x1x80xi32, #tpu.memory_space<hbm>> -> memref<80xi32, #tpu.memory_space<hbm>>
      tpu.wait_dma2 semaphore(%run_scoped3A_41 : memref<!tpu.dma_semaphore, #tpu.memory_space<semaphore_mem>>) src(%dma_wait3A_53 : memref<80xi32, #tpu.memory_space<hbm>>) dst(%arg13 : memref<80xi32, #tpu.memory_space<vmem>>)
      tpu.yield
    }) : () -> ()
    %dma_start3A = arith.constant 0 : i32
    %dma_start3A_11 = arith.constant 0 : i32
    %dma_start3A_12 = tpu.memref_slice %arg2[%dma_start3A, %dma_start3A_11] : memref<10000x128xf32, #tpu.memory_space<hbm>> -> memref<10000x128xf32, #tpu.memory_space<hbm>>
    tpu.enqueue_indirect_dma source(%dma_start3A_12 : memref<10000x128xf32, #tpu.memory_space<hbm>>) target(%arg17 : memref<80x128xf32, #tpu.memory_space<vmem>>) offsets(%arg9 : memref<80xi32, #tpu.memory_space<vmem>>) semaphore(%arg24 : memref<!tpu.dma_semaphore, #tpu.memory_space<semaphore_mem>>)
    %add3A_13 = arith.constant 1 : i32
    %add3A_14 = arith.addi %mul3A_4, %add3A_13 : i32
    %run_scoped3A_15 = arith.constant 0 : i32
    "tpu.region"() ({
      %run_scoped3A_41 = tpu.sem_alloc : memref<!tpu.dma_semaphore, #tpu.memory_space<semaphore_mem>>
      %dma_start3A_42 = arith.constant 0 : i32
      %dma_start3A_43 = tpu.memref_slice %arg3[%run_scoped3A_15, %add3A_14, %dma_start3A_42] : memref<2x4096x80xi32, #tpu.memory_space<hbm>> -> memref<1x1x80xi32, #tpu.memory_space<hbm>>
      %dma_start3A_44 = tpu.memref_squeeze %dma_start3A_43 : memref<1x1x80xi32, #tpu.memory_space<hbm>> -> memref<80xi32, #tpu.memory_space<hbm>>
      %dma_start3A_45 = arith.constant 0 : i32
      %dma_start3A_46 = tpu.memref_slice %arg3[%run_scoped3A_15, %add3A_14, %dma_start3A_45] : memref<2x4096x80xi32, #tpu.memory_space<hbm>> -> memref<1x1x80xi32, #tpu.memory_space<hbm>>
      %dma_start3A_47 = tpu.memref_squeeze %dma_start3A_46 : memref<1x1x80xi32, #tpu.memory_space<hbm>> -> memref<80xi32, #tpu.memory_space<hbm>>
      tpu.enqueue_dma source(%dma_start3A_47 : memref<80xi32, #tpu.memory_space<hbm>>) target(%arg10 : memref<80xi32, #tpu.memory_space<vmem>>) target_semaphore(%run_scoped3A_41 : memref<!tpu.dma_semaphore, #tpu.memory_space<semaphore_mem>>)
      %dma_wait3A_48 = arith.constant 0 : i32
      %dma_wait3A_49 = tpu.memref_slice %arg3[%run_scoped3A_15, %add3A_14, %dma_wait3A_48] : memref<2x4096x80xi32, #tpu.memory_space<hbm>> -> memref<1x1x80xi32, #tpu.memory_space<hbm>>
      %dma_wait3A_50 = tpu.memref_squeeze %dma_wait3A_49 : memref<1x1x80xi32, #tpu.memory_space<hbm>> -> memref<80xi32, #tpu.memory_space<hbm>>
      %dma_wait3A_51 = arith.constant 0 : i32
      %dma_wait3A_52 = tpu.memref_slice %arg3[%run_scoped3A_15, %add3A_14, %dma_wait3A_51] : memref<2x4096x80xi32, #tpu.memory_space<hbm>> -> memref<1x1x80xi32, #tpu.memory_space<hbm>>
      %dma_wait3A_53 = tpu.memref_squeeze %dma_wait3A_52 : memref<1x1x80xi32, #tpu.memory_space<hbm>> -> memref<80xi32, #tpu.memory_space<hbm>>
      tpu.wait_dma2 semaphore(%run_scoped3A_41 : memref<!tpu.dma_semaphore, #tpu.memory_space<semaphore_mem>>) src(%dma_wait3A_53 : memref<80xi32, #tpu.memory_space<hbm>>) dst(%arg10 : memref<80xi32, #tpu.memory_space<vmem>>)
      tpu.yield
    }) : () -> ()
    %run_scoped3A_16 = arith.constant 1 : i32
    "tpu.region"() ({
      %run_scoped3A_41 = tpu.sem_alloc : memref<!tpu.dma_semaphore, #tpu.memory_space<semaphore_mem>>
      %dma_start3A_42 = arith.constant 0 : i32
      %dma_start3A_43 = tpu.memref_slice %arg3[%run_scoped3A_16, %add3A_14, %dma_start3A_42] : memref<2x4096x80xi32, #tpu.memory_space<hbm>> -> memref<1x1x80xi32, #tpu.memory_space<hbm>>
      %dma_start3A_44 = tpu.memref_squeeze %dma_start3A_43 : memref<1x1x80xi32, #tpu.memory_space<hbm>> -> memref<80xi32, #tpu.memory_space<hbm>>
      %dma_start3A_45 = arith.constant 0 : i32
      %dma_start3A_46 = tpu.memref_slice %arg3[%run_scoped3A_16, %add3A_14, %dma_start3A_45] : memref<2x4096x80xi32, #tpu.memory_space<hbm>> -> memref<1x1x80xi32, #tpu.memory_space<hbm>>
      %dma_start3A_47 = tpu.memref_squeeze %dma_start3A_46 : memref<1x1x80xi32, #tpu.memory_space<hbm>> -> memref<80xi32, #tpu.memory_space<hbm>>
      tpu.enqueue_dma source(%dma_start3A_47 : memref<80xi32, #tpu.memory_space<hbm>>) target(%arg14 : memref<80xi32, #tpu.memory_space<vmem>>) target_semaphore(%run_scoped3A_41 : memref<!tpu.dma_semaphore, #tpu.memory_space<semaphore_mem>>)
      %dma_wait3A_48 = arith.constant 0 : i32
      %dma_wait3A_49 = tpu.memref_slice %arg3[%run_scoped3A_16, %add3A_14, %dma_wait3A_48] : memref<2x4096x80xi32, #tpu.memory_space<hbm>> -> memref<1x1x80xi32, #tpu.memory_space<hbm>>
      %dma_wait3A_50 = tpu.memref_squeeze %dma_wait3A_49 : memref<1x1x80xi32, #tpu.memory_space<hbm>> -> memref<80xi32, #tpu.memory_space<hbm>>
      %dma_wait3A_51 = arith.constant 0 : i32
      %dma_wait3A_52 = tpu.memref_slice %arg3[%run_scoped3A_16, %add3A_14, %dma_wait3A_51] : memref<2x4096x80xi32, #tpu.memory_space<hbm>> -> memref<1x1x80xi32, #tpu.memory_space<hbm>>
      %dma_wait3A_53 = tpu.memref_squeeze %dma_wait3A_52 : memref<1x1x80xi32, #tpu.memory_space<hbm>> -> memref<80xi32, #tpu.memory_space<hbm>>
      tpu.wait_dma2 semaphore(%run_scoped3A_41 : memref<!tpu.dma_semaphore, #tpu.memory_space<semaphore_mem>>) src(%dma_wait3A_53 : memref<80xi32, #tpu.memory_space<hbm>>) dst(%arg14 : memref<80xi32, #tpu.memory_space<vmem>>)
      tpu.yield
    }) : () -> ()
    %dma_start3A_17 = arith.constant 0 : i32
    %dma_start3A_18 = arith.constant 0 : i32
    %dma_start3A_19 = tpu.memref_slice %arg2[%dma_start3A_17, %dma_start3A_18] : memref<10000x128xf32, #tpu.memory_space<hbm>> -> memref<10000x128xf32, #tpu.memory_space<hbm>>
    tpu.enqueue_indirect_dma source(%dma_start3A_19 : memref<10000x128xf32, #tpu.memory_space<hbm>>) target(%arg18 : memref<80x128xf32, #tpu.memory_space<vmem>>) offsets(%arg10 : memref<80xi32, #tpu.memory_space<vmem>>) semaphore(%arg25 : memref<!tpu.dma_semaphore, #tpu.memory_space<semaphore_mem>>)
    %add3A_20 = arith.constant 2 : i32
    %add3A_21 = arith.addi %mul3A_4, %add3A_20 : i32
    %run_scoped3A_22 = arith.constant 0 : i32
    "tpu.region"() ({
      %run_scoped3A_41 = tpu.sem_alloc : memref<!tpu.dma_semaphore, #tpu.memory_space<semaphore_mem>>
      %dma_start3A_42 = arith.constant 0 : i32
      %dma_start3A_43 = tpu.memref_slice %arg3[%run_scoped3A_22, %add3A_21, %dma_start3A_42] : memref<2x4096x80xi32, #tpu.memory_space<hbm>> -> memref<1x1x80xi32, #tpu.memory_space<hbm>>
      %dma_start3A_44 = tpu.memref_squeeze %dma_start3A_43 : memref<1x1x80xi32, #tpu.memory_space<hbm>> -> memref<80xi32, #tpu.memory_space<hbm>>
      %dma_start3A_45 = arith.constant 0 : i32
      %dma_start3A_46 = tpu.memref_slice %arg3[%run_scoped3A_22, %add3A_21, %dma_start3A_45] : memref<2x4096x80xi32, #tpu.memory_space<hbm>> -> memref<1x1x80xi32, #tpu.memory_space<hbm>>
      %dma_start3A_47 = tpu.memref_squeeze %dma_start3A_46 : memref<1x1x80xi32, #tpu.memory_space<hbm>> -> memref<80xi32, #tpu.memory_space<hbm>>
      tpu.enqueue_dma source(%dma_start3A_47 : memref<80xi32, #tpu.memory_space<hbm>>) target(%arg11 : memref<80xi32, #tpu.memory_space<vmem>>) target_semaphore(%run_scoped3A_41 : memref<!tpu.dma_semaphore, #tpu.memory_space<semaphore_mem>>)
      %dma_wait3A_48 = arith.constant 0 : i32
      %dma_wait3A_49 = tpu.memref_slice %arg3[%run_scoped3A_22, %add3A_21, %dma_wait3A_48] : memref<2x4096x80xi32, #tpu.memory_space<hbm>> -> memref<1x1x80xi32, #tpu.memory_space<hbm>>
      %dma_wait3A_50 = tpu.memref_squeeze %dma_wait3A_49 : memref<1x1x80xi32, #tpu.memory_space<hbm>> -> memref<80xi32, #tpu.memory_space<hbm>>
      %dma_wait3A_51 = arith.constant 0 : i32
      %dma_wait3A_52 = tpu.memref_slice %arg3[%run_scoped3A_22, %add3A_21, %dma_wait3A_51] : memref<2x4096x80xi32, #tpu.memory_space<hbm>> -> memref<1x1x80xi32, #tpu.memory_space<hbm>>
      %dma_wait3A_53 = tpu.memref_squeeze %dma_wait3A_52 : memref<1x1x80xi32, #tpu.memory_space<hbm>> -> memref<80xi32, #tpu.memory_space<hbm>>
      tpu.wait_dma2 semaphore(%run_scoped3A_41 : memref<!tpu.dma_semaphore, #tpu.memory_space<semaphore_mem>>) src(%dma_wait3A_53 : memref<80xi32, #tpu.memory_space<hbm>>) dst(%arg11 : memref<80xi32, #tpu.memory_space<vmem>>)
      tpu.yield
    }) : () -> ()
    %run_scoped3A_23 = arith.constant 1 : i32
    "tpu.region"() ({
      %run_scoped3A_41 = tpu.sem_alloc : memref<!tpu.dma_semaphore, #tpu.memory_space<semaphore_mem>>
      %dma_start3A_42 = arith.constant 0 : i32
      %dma_start3A_43 = tpu.memref_slice %arg3[%run_scoped3A_23, %add3A_21, %dma_start3A_42] : memref<2x4096x80xi32, #tpu.memory_space<hbm>> -> memref<1x1x80xi32, #tpu.memory_space<hbm>>
      %dma_start3A_44 = tpu.memref_squeeze %dma_start3A_43 : memref<1x1x80xi32, #tpu.memory_space<hbm>> -> memref<80xi32, #tpu.memory_space<hbm>>
      %dma_start3A_45 = arith.constant 0 : i32
      %dma_start3A_46 = tpu.memref_slice %arg3[%run_scoped3A_23, %add3A_21, %dma_start3A_45] : memref<2x4096x80xi32, #tpu.memory_space<hbm>> -> memref<1x1x80xi32, #tpu.memory_space<hbm>>
      %dma_start3A_47 = tpu.memref_squeeze %dma_start3A_46 : memref<1x1x80xi32, #tpu.memory_space<hbm>> -> memref<80xi32, #tpu.memory_space<hbm>>
      tpu.enqueue_dma source(%dma_start3A_47 : memref<80xi32, #tpu.memory_space<hbm>>) target(%arg15 : memref<80xi32, #tpu.memory_space<vmem>>) target_semaphore(%run_scoped3A_41 : memref<!tpu.dma_semaphore, #tpu.memory_space<semaphore_mem>>)
      %dma_wait3A_48 = arith.constant 0 : i32
      %dma_wait3A_49 = tpu.memref_slice %arg3[%run_scoped3A_23, %add3A_21, %dma_wait3A_48] : memref<2x4096x80xi32, #tpu.memory_space<hbm>> -> memref<1x1x80xi32, #tpu.memory_space<hbm>>
      %dma_wait3A_50 = tpu.memref_squeeze %dma_wait3A_49 : memref<1x1x80xi32, #tpu.memory_space<hbm>> -> memref<80xi32, #tpu.memory_space<hbm>>
      %dma_wait3A_51 = arith.constant 0 : i32
      %dma_wait3A_52 = tpu.memref_slice %arg3[%run_scoped3A_23, %add3A_21, %dma_wait3A_51] : memref<2x4096x80xi32, #tpu.memory_space<hbm>> -> memref<1x1x80xi32, #tpu.memory_space<hbm>>
      %dma_wait3A_53 = tpu.memref_squeeze %dma_wait3A_52 : memref<1x1x80xi32, #tpu.memory_space<hbm>> -> memref<80xi32, #tpu.memory_space<hbm>>
      tpu.wait_dma2 semaphore(%run_scoped3A_41 : memref<!tpu.dma_semaphore, #tpu.memory_space<semaphore_mem>>) src(%dma_wait3A_53 : memref<80xi32, #tpu.memory_space<hbm>>) dst(%arg15 : memref<80xi32, #tpu.memory_space<vmem>>)
      tpu.yield
    }) : () -> ()
    %dma_start3A_24 = arith.constant 0 : i32
    %dma_start3A_25 = arith.constant 0 : i32
    %dma_start3A_26 = tpu.memref_slice %arg2[%dma_start3A_24, %dma_start3A_25] : memref<10000x128xf32, #tpu.memory_space<hbm>> -> memref<10000x128xf32, #tpu.memory_space<hbm>>
    tpu.enqueue_indirect_dma source(%dma_start3A_26 : memref<10000x128xf32, #tpu.memory_space<hbm>>) target(%arg19 : memref<80x128xf32, #tpu.memory_space<vmem>>) offsets(%arg11 : memref<80xi32, #tpu.memory_space<vmem>>) semaphore(%arg26 : memref<!tpu.dma_semaphore, #tpu.memory_space<semaphore_mem>>)
    "tpu.region"() ({
      %run_scoped3A_41 = tpu.sem_alloc : memref<!tpu.dma_semaphore, #tpu.memory_space<semaphore_mem>>
      %dma_start3A_42 = arith.constant 0 : i32
      %dma_start3A_43 = tpu.memref_slice %arg22[%mul3A_2, %dma_start3A_42] : memref<10240x128xf32, #tpu.memory_space<vmem_shared>> -> memref<640x128xf32, #tpu.memory_space<vmem_shared>>
      %dma_start3A_44 = arith.constant 0 : i32
      %dma_start3A_45 = tpu.memref_slice %arg4[%mul3A_2, %dma_start3A_44] : memref<10240x128xf32, #tpu.memory_space<hbm>> -> memref<640x128xf32, #tpu.memory_space<hbm>>
      tpu.enqueue_dma source(%dma_start3A_45 : memref<640x128xf32, #tpu.memory_space<hbm>>) target(%dma_start3A_43 : memref<640x128xf32, #tpu.memory_space<vmem_shared>>) target_semaphore(%run_scoped3A_41 : memref<!tpu.dma_semaphore, #tpu.memory_space<semaphore_mem>>)
      %dma_wait3A_46 = arith.constant 0 : i32
      %dma_wait3A_47 = tpu.memref_slice %arg22[%mul3A_2, %dma_wait3A_46] : memref<10240x128xf32, #tpu.memory_space<vmem_shared>> -> memref<640x128xf32, #tpu.memory_space<vmem_shared>>
      %dma_wait3A_48 = arith.constant 0 : i32
      %dma_wait3A_49 = tpu.memref_slice %arg4[%mul3A_2, %dma_wait3A_48] : memref<10240x128xf32, #tpu.memory_space<hbm>> -> memref<640x128xf32, #tpu.memory_space<hbm>>
      tpu.wait_dma2 semaphore(%run_scoped3A_41 : memref<!tpu.dma_semaphore, #tpu.memory_space<semaphore_mem>>) src(%dma_wait3A_49 : memref<640x128xf32, #tpu.memory_space<hbm>>) dst(%dma_wait3A_47 : memref<640x128xf32, #tpu.memory_space<vmem_shared>>)
      tpu.yield
    }) : () -> ()
    "tpu.region"() ({
      %run_scoped3A_41 = tpu.sem_alloc : memref<!tpu.dma_semaphore, #tpu.memory_space<semaphore_mem>>
      %dma_start3A_42 = tpu.memref_slice %arg23[%mul3A_2] : memref<10240xf32, #tpu.memory_space<vmem_shared>> -> memref<640xf32, #tpu.memory_space<vmem_shared>>
      %dma_start3A_43 = tpu.memref_slice %arg5[%mul3A_2] : memref<10240xf32, #tpu.memory_space<hbm>> -> memref<640xf32, #tpu.memory_space<hbm>>
      tpu.enqueue_dma source(%dma_start3A_43 : memref<640xf32, #tpu.memory_space<hbm>>) target(%dma_start3A_42 : memref<640xf32, #tpu.memory_space<vmem_shared>>) target_semaphore(%run_scoped3A_41 : memref<!tpu.dma_semaphore, #tpu.memory_space<semaphore_mem>>)
      %dma_wait3A_44 = tpu.memref_slice %arg23[%mul3A_2] : memref<10240xf32, #tpu.memory_space<vmem_shared>> -> memref<640xf32, #tpu.memory_space<vmem_shared>>
      %dma_wait3A_45 = tpu.memref_slice %arg5[%mul3A_2] : memref<10240xf32, #tpu.memory_space<hbm>> -> memref<640xf32, #tpu.memory_space<hbm>>
      tpu.wait_dma2 semaphore(%run_scoped3A_41 : memref<!tpu.dma_semaphore, #tpu.memory_space<semaphore_mem>>) src(%dma_wait3A_45 : memref<640xf32, #tpu.memory_space<hbm>>) dst(%dma_wait3A_44 : memref<640xf32, #tpu.memory_space<vmem_shared>>)
      tpu.yield
    }) : () -> ()
    "tpu.region"() ({
      %run_scoped3A_41 = tpu.sem_alloc : memref<!tpu.dma_semaphore, #tpu.memory_space<semaphore_mem>>
      tpu.enqueue_dma source(%arg6 : memref<80xf32, #tpu.memory_space<hbm>>) target(%arg21 : memref<80xf32, #tpu.memory_space<vmem>>) target_semaphore(%run_scoped3A_41 : memref<!tpu.dma_semaphore, #tpu.memory_space<semaphore_mem>>)
      tpu.wait_dma2 semaphore(%run_scoped3A_41 : memref<!tpu.dma_semaphore, #tpu.memory_space<semaphore_mem>>) src(%arg6 : memref<80xf32, #tpu.memory_space<hbm>>) dst(%arg21 : memref<80xf32, #tpu.memory_space<vmem>>)
      tpu.yield
    }) : () -> ()
    %barrier3A = arith.constant 0 : index
    tpu.barrier barrier_id(%barrier3A)
    %scan3A = arith.constant 0 : i32
    %scan3A_27 = arith.constant 0 : i32
    %scan3A_28 = arith.constant 32 : i32
    %scan3A_29 = arith.addi %scan3A_27, %scan3A_28 : i32
    %scan3A_30 = arith.constant 1 : i32
    scf.for %scan3A_41 = %scan3A_27 to %scan3A_29 step %scan3A_30  : i32 {
      %mul3A_42 = arith.constant 4 : i32
      %mul3A_43 = arith.muli %mul3A_42, %scan3A_41 : i32
      %add3A_44 = arith.addi %mul3A_4, %mul3A_43 : i32
      %dma_wait3A_45 = arith.constant 0 : i32
      %dma_wait3A_46 = arith.constant 0 : i32
      %dma_wait3A_47 = tpu.memref_slice %arg2[%dma_wait3A_45, %dma_wait3A_46] : memref<10000x128xf32, #tpu.memory_space<hbm>> -> memref<10000x128xf32, #tpu.memory_space<hbm>>
      tpu.wait_indirect_dma semaphore(%arg24 : memref<!tpu.dma_semaphore, #tpu.memory_space<semaphore_mem>>) src(%dma_wait3A_47 : memref<10000x128xf32, #tpu.memory_space<hbm>>) dst(%arg17 : memref<80x128xf32, #tpu.memory_space<vmem>>)
      %add3A_48 = arith.constant 0 : i32
      %add3A_49 = arith.addi %add3A_44, %add3A_48 : i32
      %add3A_50 = arith.constant 4 : i32
      %add3A_51 = arith.addi %add3A_49, %add3A_50 : i32
      %sub3A_52 = arith.constant 1 : i32
      %sub3A_53 = arith.subi %add3A_51, %sub3A_52 : i32
      %min3A = arith.minsi %sub3A_53, %sub3A_7 : i32
      %run_scoped3A_54 = arith.constant 0 : i32
      "tpu.region"() ({
        %run_scoped3A_104 = tpu.sem_alloc : memref<!tpu.dma_semaphore, #tpu.memory_space<semaphore_mem>>
        %dma_start3A_105 = arith.constant 0 : i32
        %dma_start3A_106 = tpu.memref_slice %arg3[%run_scoped3A_54, %min3A, %dma_start3A_105] : memref<2x4096x80xi32, #tpu.memory_space<hbm>> -> memref<1x1x80xi32, #tpu.memory_space<hbm>>
        %dma_start3A_107 = tpu.memref_squeeze %dma_start3A_106 : memref<1x1x80xi32, #tpu.memory_space<hbm>> -> memref<80xi32, #tpu.memory_space<hbm>>
        %dma_start3A_108 = arith.constant 0 : i32
        %dma_start3A_109 = tpu.memref_slice %arg3[%run_scoped3A_54, %min3A, %dma_start3A_108] : memref<2x4096x80xi32, #tpu.memory_space<hbm>> -> memref<1x1x80xi32, #tpu.memory_space<hbm>>
        %dma_start3A_110 = tpu.memref_squeeze %dma_start3A_109 : memref<1x1x80xi32, #tpu.memory_space<hbm>> -> memref<80xi32, #tpu.memory_space<hbm>>
        tpu.enqueue_dma source(%dma_start3A_110 : memref<80xi32, #tpu.memory_space<hbm>>) target(%arg12 : memref<80xi32, #tpu.memory_space<vmem>>) target_semaphore(%run_scoped3A_104 : memref<!tpu.dma_semaphore, #tpu.memory_space<semaphore_mem>>)
        %dma_wait3A_111 = arith.constant 0 : i32
        %dma_wait3A_112 = tpu.memref_slice %arg3[%run_scoped3A_54, %min3A, %dma_wait3A_111] : memref<2x4096x80xi32, #tpu.memory_space<hbm>> -> memref<1x1x80xi32, #tpu.memory_space<hbm>>
        %dma_wait3A_113 = tpu.memref_squeeze %dma_wait3A_112 : memref<1x1x80xi32, #tpu.memory_space<hbm>> -> memref<80xi32, #tpu.memory_space<hbm>>
        %dma_wait3A_114 = arith.constant 0 : i32
        %dma_wait3A_115 = tpu.memref_slice %arg3[%run_scoped3A_54, %min3A, %dma_wait3A_114] : memref<2x4096x80xi32, #tpu.memory_space<hbm>> -> memref<1x1x80xi32, #tpu.memory_space<hbm>>
        %dma_wait3A_116 = tpu.memref_squeeze %dma_wait3A_115 : memref<1x1x80xi32, #tpu.memory_space<hbm>> -> memref<80xi32, #tpu.memory_space<hbm>>
        tpu.wait_dma2 semaphore(%run_scoped3A_104 : memref<!tpu.dma_semaphore, #tpu.memory_space<semaphore_mem>>) src(%dma_wait3A_116 : memref<80xi32, #tpu.memory_space<hbm>>) dst(%arg12 : memref<80xi32, #tpu.memory_space<vmem>>)
        tpu.yield
      }) : () -> ()
      %run_scoped3A_55 = arith.constant 1 : i32
      "tpu.region"() ({
        %run_scoped3A_104 = tpu.sem_alloc : memref<!tpu.dma_semaphore, #tpu.memory_space<semaphore_mem>>
        %dma_start3A_105 = arith.constant 0 : i32
        %dma_start3A_106 = tpu.memref_slice %arg3[%run_scoped3A_55, %min3A, %dma_start3A_105] : memref<2x4096x80xi32, #tpu.memory_space<hbm>> -> memref<1x1x80xi32, #tpu.memory_space<hbm>>
        %dma_start3A_107 = tpu.memref_squeeze %dma_start3A_106 : memref<1x1x80xi32, #tpu.memory_space<hbm>> -> memref<80xi32, #tpu.memory_space<hbm>>
        %dma_start3A_108 = arith.constant 0 : i32
        %dma_start3A_109 = tpu.memref_slice %arg3[%run_scoped3A_55, %min3A, %dma_start3A_108] : memref<2x4096x80xi32, #tpu.memory_space<hbm>> -> memref<1x1x80xi32, #tpu.memory_space<hbm>>
        %dma_start3A_110 = tpu.memref_squeeze %dma_start3A_109 : memref<1x1x80xi32, #tpu.memory_space<hbm>> -> memref<80xi32, #tpu.memory_space<hbm>>
        tpu.enqueue_dma source(%dma_start3A_110 : memref<80xi32, #tpu.memory_space<hbm>>) target(%arg16 : memref<80xi32, #tpu.memory_space<vmem>>) target_semaphore(%run_scoped3A_104 : memref<!tpu.dma_semaphore, #tpu.memory_space<semaphore_mem>>)
        %dma_wait3A_111 = arith.constant 0 : i32
        %dma_wait3A_112 = tpu.memref_slice %arg3[%run_scoped3A_55, %min3A, %dma_wait3A_111] : memref<2x4096x80xi32, #tpu.memory_space<hbm>> -> memref<1x1x80xi32, #tpu.memory_space<hbm>>
        %dma_wait3A_113 = tpu.memref_squeeze %dma_wait3A_112 : memref<1x1x80xi32, #tpu.memory_space<hbm>> -> memref<80xi32, #tpu.memory_space<hbm>>
        %dma_wait3A_114 = arith.constant 0 : i32
        %dma_wait3A_115 = tpu.memref_slice %arg3[%run_scoped3A_55, %min3A, %dma_wait3A_114] : memref<2x4096x80xi32, #tpu.memory_space<hbm>> -> memref<1x1x80xi32, #tpu.memory_space<hbm>>
        %dma_wait3A_116 = tpu.memref_squeeze %dma_wait3A_115 : memref<1x1x80xi32, #tpu.memory_space<hbm>> -> memref<80xi32, #tpu.memory_space<hbm>>
        tpu.wait_dma2 semaphore(%run_scoped3A_104 : memref<!tpu.dma_semaphore, #tpu.memory_space<semaphore_mem>>) src(%dma_wait3A_116 : memref<80xi32, #tpu.memory_space<hbm>>) dst(%arg16 : memref<80xi32, #tpu.memory_space<vmem>>)
        tpu.yield
      }) : () -> ()
      %dma_start3A_56 = arith.constant 0 : i32
      %dma_start3A_57 = arith.constant 0 : i32
      %dma_start3A_58 = tpu.memref_slice %arg2[%dma_start3A_56, %dma_start3A_57] : memref<10000x128xf32, #tpu.memory_space<hbm>> -> memref<10000x128xf32, #tpu.memory_space<hbm>>
      tpu.enqueue_indirect_dma source(%dma_start3A_58 : memref<10000x128xf32, #tpu.memory_space<hbm>>) target(%arg20 : memref<80x128xf32, #tpu.memory_space<vmem>>) offsets(%arg12 : memref<80xi32, #tpu.memory_space<vmem>>) semaphore(%arg27 : memref<!tpu.dma_semaphore, #tpu.memory_space<semaphore_mem>>)
      "tpu.region"() ({
        %run_scoped3A_104 = tpu.sem_alloc : memref<!tpu.dma_semaphore, #tpu.memory_space<semaphore_mem>>
        %dma_start3A_105 = arith.constant 0 : i32
        %dma_start3A_106 = arith.constant 0 : i32
        %dma_start3A_107 = tpu.memref_slice %arg22[%dma_start3A_105, %dma_start3A_106] : memref<10240x128xf32, #tpu.memory_space<vmem_shared>> -> memref<10240x128xf32, #tpu.memory_space<vmem_shared>>
        tpu.enqueue_indirect_dma source(%arg17 : memref<80x128xf32, #tpu.memory_space<vmem>>) target(%dma_start3A_107 : memref<10240x128xf32, #tpu.memory_space<vmem_shared>>) offsets(%arg13 : memref<80xi32, #tpu.memory_space<vmem>>) semaphore(%run_scoped3A_104 : memref<!tpu.dma_semaphore, #tpu.memory_space<semaphore_mem>>) {add = true}
        %dma_wait3A_108 = arith.constant 0 : i32
        %dma_wait3A_109 = arith.constant 0 : i32
        %dma_wait3A_110 = tpu.memref_slice %arg22[%dma_wait3A_108, %dma_wait3A_109] : memref<10240x128xf32, #tpu.memory_space<vmem_shared>> -> memref<10240x128xf32, #tpu.memory_space<vmem_shared>>
        tpu.wait_indirect_dma semaphore(%run_scoped3A_104 : memref<!tpu.dma_semaphore, #tpu.memory_space<semaphore_mem>>) src(%arg17 : memref<80x128xf32, #tpu.memory_space<vmem>>) dst(%dma_wait3A_110 : memref<10240x128xf32, #tpu.memory_space<vmem_shared>>)
        tpu.yield
      }) : () -> ()
      "tpu.region"() ({
        %run_scoped3A_104 = tpu.sem_alloc : memref<!tpu.dma_semaphore, #tpu.memory_space<semaphore_mem>>
        %dma_start3A_105 = arith.constant 0 : i32
        %dma_start3A_106 = tpu.memref_slice %arg23[%dma_start3A_105] : memref<10240xf32, #tpu.memory_space<vmem_shared>> -> memref<10240xf32, #tpu.memory_space<vmem_shared>>
        tpu.enqueue_indirect_dma source(%arg21 : memref<80xf32, #tpu.memory_space<vmem>>) target(%dma_start3A_106 : memref<10240xf32, #tpu.memory_space<vmem_shared>>) offsets(%arg13 : memref<80xi32, #tpu.memory_space<vmem>>) semaphore(%run_scoped3A_104 : memref<!tpu.dma_semaphore, #tpu.memory_space<semaphore_mem>>) {add = true}
        %dma_wait3A_107 = arith.constant 0 : i32
        %dma_wait3A_108 = tpu.memref_slice %arg23[%dma_wait3A_107] : memref<10240xf32, #tpu.memory_space<vmem_shared>> -> memref<10240xf32, #tpu.memory_space<vmem_shared>>
        tpu.wait_indirect_dma semaphore(%run_scoped3A_104 : memref<!tpu.dma_semaphore, #tpu.memory_space<semaphore_mem>>) src(%arg21 : memref<80xf32, #tpu.memory_space<vmem>>) dst(%dma_wait3A_108 : memref<10240xf32, #tpu.memory_space<vmem_shared>>)
        tpu.yield
      }) : () -> ()
      %dma_wait3A_59 = arith.constant 0 : i32
      %dma_wait3A_60 = arith.constant 0 : i32
      %dma_wait3A_61 = tpu.memref_slice %arg2[%dma_wait3A_59, %dma_wait3A_60] : memref<10000x128xf32, #tpu.memory_space<hbm>> -> memref<10000x128xf32, #tpu.memory_space<hbm>>
      tpu.wait_indirect_dma semaphore(%arg25 : memref<!tpu.dma_semaphore, #tpu.memory_space<semaphore_mem>>) src(%dma_wait3A_61 : memref<10000x128xf32, #tpu.memory_space<hbm>>) dst(%arg18 : memref<80x128xf32, #tpu.memory_space<vmem>>)
      %add3A_62 = arith.constant 1 : i32
      %add3A_63 = arith.addi %add3A_44, %add3A_62 : i32
      %add3A_64 = arith.constant 4 : i32
      %add3A_65 = arith.addi %add3A_63, %add3A_64 : i32
      %sub3A_66 = arith.constant 1 : i32
      %sub3A_67 = arith.subi %add3A_65, %sub3A_66 : i32
      %min3A_68 = arith.minsi %sub3A_67, %sub3A_7 : i32
      %run_scoped3A_69 = arith.constant 0 : i32
      "tpu.region"() ({
        %run_scoped3A_104 = tpu.sem_alloc : memref<!tpu.dma_semaphore, #tpu.memory_space<semaphore_mem>>
        %dma_start3A_105 = arith.constant 0 : i32
        %dma_start3A_106 = tpu.memref_slice %arg3[%run_scoped3A_69, %min3A_68, %dma_start3A_105] : memref<2x4096x80xi32, #tpu.memory_space<hbm>> -> memref<1x1x80xi32, #tpu.memory_space<hbm>>
        %dma_start3A_107 = tpu.memref_squeeze %dma_start3A_106 : memref<1x1x80xi32, #tpu.memory_space<hbm>> -> memref<80xi32, #tpu.memory_space<hbm>>
        %dma_start3A_108 = arith.constant 0 : i32
        %dma_start3A_109 = tpu.memref_slice %arg3[%run_scoped3A_69, %min3A_68, %dma_start3A_108] : memref<2x4096x80xi32, #tpu.memory_space<hbm>> -> memref<1x1x80xi32, #tpu.memory_space<hbm>>
        %dma_start3A_110 = tpu.memref_squeeze %dma_start3A_109 : memref<1x1x80xi32, #tpu.memory_space<hbm>> -> memref<80xi32, #tpu.memory_space<hbm>>
        tpu.enqueue_dma source(%dma_start3A_110 : memref<80xi32, #tpu.memory_space<hbm>>) target(%arg9 : memref<80xi32, #tpu.memory_space<vmem>>) target_semaphore(%run_scoped3A_104 : memref<!tpu.dma_semaphore, #tpu.memory_space<semaphore_mem>>)
        %dma_wait3A_111 = arith.constant 0 : i32
        %dma_wait3A_112 = tpu.memref_slice %arg3[%run_scoped3A_69, %min3A_68, %dma_wait3A_111] : memref<2x4096x80xi32, #tpu.memory_space<hbm>> -> memref<1x1x80xi32, #tpu.memory_space<hbm>>
        %dma_wait3A_113 = tpu.memref_squeeze %dma_wait3A_112 : memref<1x1x80xi32, #tpu.memory_space<hbm>> -> memref<80xi32, #tpu.memory_space<hbm>>
        %dma_wait3A_114 = arith.constant 0 : i32
        %dma_wait3A_115 = tpu.memref_slice %arg3[%run_scoped3A_69, %min3A_68, %dma_wait3A_114] : memref<2x4096x80xi32, #tpu.memory_space<hbm>> -> memref<1x1x80xi32, #tpu.memory_space<hbm>>
        %dma_wait3A_116 = tpu.memref_squeeze %dma_wait3A_115 : memref<1x1x80xi32, #tpu.memory_space<hbm>> -> memref<80xi32, #tpu.memory_space<hbm>>
        tpu.wait_dma2 semaphore(%run_scoped3A_104 : memref<!tpu.dma_semaphore, #tpu.memory_space<semaphore_mem>>) src(%dma_wait3A_116 : memref<80xi32, #tpu.memory_space<hbm>>) dst(%arg9 : memref<80xi32, #tpu.memory_space<vmem>>)
        tpu.yield
      }) : () -> ()
      %run_scoped3A_70 = arith.constant 1 : i32
      "tpu.region"() ({
        %run_scoped3A_104 = tpu.sem_alloc : memref<!tpu.dma_semaphore, #tpu.memory_space<semaphore_mem>>
        %dma_start3A_105 = arith.constant 0 : i32
        %dma_start3A_106 = tpu.memref_slice %arg3[%run_scoped3A_70, %min3A_68, %dma_start3A_105] : memref<2x4096x80xi32, #tpu.memory_space<hbm>> -> memref<1x1x80xi32, #tpu.memory_space<hbm>>
        %dma_start3A_107 = tpu.memref_squeeze %dma_start3A_106 : memref<1x1x80xi32, #tpu.memory_space<hbm>> -> memref<80xi32, #tpu.memory_space<hbm>>
        %dma_start3A_108 = arith.constant 0 : i32
        %dma_start3A_109 = tpu.memref_slice %arg3[%run_scoped3A_70, %min3A_68, %dma_start3A_108] : memref<2x4096x80xi32, #tpu.memory_space<hbm>> -> memref<1x1x80xi32, #tpu.memory_space<hbm>>
        %dma_start3A_110 = tpu.memref_squeeze %dma_start3A_109 : memref<1x1x80xi32, #tpu.memory_space<hbm>> -> memref<80xi32, #tpu.memory_space<hbm>>
        tpu.enqueue_dma source(%dma_start3A_110 : memref<80xi32, #tpu.memory_space<hbm>>) target(%arg13 : memref<80xi32, #tpu.memory_space<vmem>>) target_semaphore(%run_scoped3A_104 : memref<!tpu.dma_semaphore, #tpu.memory_space<semaphore_mem>>)
        %dma_wait3A_111 = arith.constant 0 : i32
        %dma_wait3A_112 = tpu.memref_slice %arg3[%run_scoped3A_70, %min3A_68, %dma_wait3A_111] : memref<2x4096x80xi32, #tpu.memory_space<hbm>> -> memref<1x1x80xi32, #tpu.memory_space<hbm>>
        %dma_wait3A_113 = tpu.memref_squeeze %dma_wait3A_112 : memref<1x1x80xi32, #tpu.memory_space<hbm>> -> memref<80xi32, #tpu.memory_space<hbm>>
        %dma_wait3A_114 = arith.constant 0 : i32
        %dma_wait3A_115 = tpu.memref_slice %arg3[%run_scoped3A_70, %min3A_68, %dma_wait3A_114] : memref<2x4096x80xi32, #tpu.memory_space<hbm>> -> memref<1x1x80xi32, #tpu.memory_space<hbm>>
        %dma_wait3A_116 = tpu.memref_squeeze %dma_wait3A_115 : memref<1x1x80xi32, #tpu.memory_space<hbm>> -> memref<80xi32, #tpu.memory_space<hbm>>
        tpu.wait_dma2 semaphore(%run_scoped3A_104 : memref<!tpu.dma_semaphore, #tpu.memory_space<semaphore_mem>>) src(%dma_wait3A_116 : memref<80xi32, #tpu.memory_space<hbm>>) dst(%arg13 : memref<80xi32, #tpu.memory_space<vmem>>)
        tpu.yield
      }) : () -> ()
      %dma_start3A_71 = arith.constant 0 : i32
      %dma_start3A_72 = arith.constant 0 : i32
      %dma_start3A_73 = tpu.memref_slice %arg2[%dma_start3A_71, %dma_start3A_72] : memref<10000x128xf32, #tpu.memory_space<hbm>> -> memref<10000x128xf32, #tpu.memory_space<hbm>>
      tpu.enqueue_indirect_dma source(%dma_start3A_73 : memref<10000x128xf32, #tpu.memory_space<hbm>>) target(%arg17 : memref<80x128xf32, #tpu.memory_space<vmem>>) offsets(%arg9 : memref<80xi32, #tpu.memory_space<vmem>>) semaphore(%arg24 : memref<!tpu.dma_semaphore, #tpu.memory_space<semaphore_mem>>)
      "tpu.region"() ({
        %run_scoped3A_104 = tpu.sem_alloc : memref<!tpu.dma_semaphore, #tpu.memory_space<semaphore_mem>>
        %dma_start3A_105 = arith.constant 0 : i32
        %dma_start3A_106 = arith.constant 0 : i32
        %dma_start3A_107 = tpu.memref_slice %arg22[%dma_start3A_105, %dma_start3A_106] : memref<10240x128xf32, #tpu.memory_space<vmem_shared>> -> memref<10240x128xf32, #tpu.memory_space<vmem_shared>>
        tpu.enqueue_indirect_dma source(%arg18 : memref<80x128xf32, #tpu.memory_space<vmem>>) target(%dma_start3A_107 : memref<10240x128xf32, #tpu.memory_space<vmem_shared>>) offsets(%arg14 : memref<80xi32, #tpu.memory_space<vmem>>) semaphore(%run_scoped3A_104 : memref<!tpu.dma_semaphore, #tpu.memory_space<semaphore_mem>>) {add = true}
        %dma_wait3A_108 = arith.constant 0 : i32
        %dma_wait3A_109 = arith.constant 0 : i32
        %dma_wait3A_110 = tpu.memref_slice %arg22[%dma_wait3A_108, %dma_wait3A_109] : memref<10240x128xf32, #tpu.memory_space<vmem_shared>> -> memref<10240x128xf32, #tpu.memory_space<vmem_shared>>
        tpu.wait_indirect_dma semaphore(%run_scoped3A_104 : memref<!tpu.dma_semaphore, #tpu.memory_space<semaphore_mem>>) src(%arg18 : memref<80x128xf32, #tpu.memory_space<vmem>>) dst(%dma_wait3A_110 : memref<10240x128xf32, #tpu.memory_space<vmem_shared>>)
        tpu.yield
      }) : () -> ()
      "tpu.region"() ({
        %run_scoped3A_104 = tpu.sem_alloc : memref<!tpu.dma_semaphore, #tpu.memory_space<semaphore_mem>>
        %dma_start3A_105 = arith.constant 0 : i32
        %dma_start3A_106 = tpu.memref_slice %arg23[%dma_start3A_105] : memref<10240xf32, #tpu.memory_space<vmem_shared>> -> memref<10240xf32, #tpu.memory_space<vmem_shared>>
        tpu.enqueue_indirect_dma source(%arg21 : memref<80xf32, #tpu.memory_space<vmem>>) target(%dma_start3A_106 : memref<10240xf32, #tpu.memory_space<vmem_shared>>) offsets(%arg14 : memref<80xi32, #tpu.memory_space<vmem>>) semaphore(%run_scoped3A_104 : memref<!tpu.dma_semaphore, #tpu.memory_space<semaphore_mem>>) {add = true}
        %dma_wait3A_107 = arith.constant 0 : i32
        %dma_wait3A_108 = tpu.memref_slice %arg23[%dma_wait3A_107] : memref<10240xf32, #tpu.memory_space<vmem_shared>> -> memref<10240xf32, #tpu.memory_space<vmem_shared>>
        tpu.wait_indirect_dma semaphore(%run_scoped3A_104 : memref<!tpu.dma_semaphore, #tpu.memory_space<semaphore_mem>>) src(%arg21 : memref<80xf32, #tpu.memory_space<vmem>>) dst(%dma_wait3A_108 : memref<10240xf32, #tpu.memory_space<vmem_shared>>)
        tpu.yield
      }) : () -> ()
      %dma_wait3A_74 = arith.constant 0 : i32
      %dma_wait3A_75 = arith.constant 0 : i32
      %dma_wait3A_76 = tpu.memref_slice %arg2[%dma_wait3A_74, %dma_wait3A_75] : memref<10000x128xf32, #tpu.memory_space<hbm>> -> memref<10000x128xf32, #tpu.memory_space<hbm>>
      tpu.wait_indirect_dma semaphore(%arg26 : memref<!tpu.dma_semaphore, #tpu.memory_space<semaphore_mem>>) src(%dma_wait3A_76 : memref<10000x128xf32, #tpu.memory_space<hbm>>) dst(%arg19 : memref<80x128xf32, #tpu.memory_space<vmem>>)
      %add3A_77 = arith.constant 2 : i32
      %add3A_78 = arith.addi %add3A_44, %add3A_77 : i32
      %add3A_79 = arith.constant 4 : i32
      %add3A_80 = arith.addi %add3A_78, %add3A_79 : i32
      %sub3A_81 = arith.constant 1 : i32
      %sub3A_82 = arith.subi %add3A_80, %sub3A_81 : i32
      %min3A_83 = arith.minsi %sub3A_82, %sub3A_7 : i32
      %run_scoped3A_84 = arith.constant 0 : i32
      "tpu.region"() ({
        %run_scoped3A_104 = tpu.sem_alloc : memref<!tpu.dma_semaphore, #tpu.memory_space<semaphore_mem>>
        %dma_start3A_105 = arith.constant 0 : i32
        %dma_start3A_106 = tpu.memref_slice %arg3[%run_scoped3A_84, %min3A_83, %dma_start3A_105] : memref<2x4096x80xi32, #tpu.memory_space<hbm>> -> memref<1x1x80xi32, #tpu.memory_space<hbm>>
        %dma_start3A_107 = tpu.memref_squeeze %dma_start3A_106 : memref<1x1x80xi32, #tpu.memory_space<hbm>> -> memref<80xi32, #tpu.memory_space<hbm>>
        %dma_start3A_108 = arith.constant 0 : i32
        %dma_start3A_109 = tpu.memref_slice %arg3[%run_scoped3A_84, %min3A_83, %dma_start3A_108] : memref<2x4096x80xi32, #tpu.memory_space<hbm>> -> memref<1x1x80xi32, #tpu.memory_space<hbm>>
        %dma_start3A_110 = tpu.memref_squeeze %dma_start3A_109 : memref<1x1x80xi32, #tpu.memory_space<hbm>> -> memref<80xi32, #tpu.memory_space<hbm>>
        tpu.enqueue_dma source(%dma_start3A_110 : memref<80xi32, #tpu.memory_space<hbm>>) target(%arg10 : memref<80xi32, #tpu.memory_space<vmem>>) target_semaphore(%run_scoped3A_104 : memref<!tpu.dma_semaphore, #tpu.memory_space<semaphore_mem>>)
        %dma_wait3A_111 = arith.constant 0 : i32
        %dma_wait3A_112 = tpu.memref_slice %arg3[%run_scoped3A_84, %min3A_83, %dma_wait3A_111] : memref<2x4096x80xi32, #tpu.memory_space<hbm>> -> memref<1x1x80xi32, #tpu.memory_space<hbm>>
        %dma_wait3A_113 = tpu.memref_squeeze %dma_wait3A_112 : memref<1x1x80xi32, #tpu.memory_space<hbm>> -> memref<80xi32, #tpu.memory_space<hbm>>
        %dma_wait3A_114 = arith.constant 0 : i32
        %dma_wait3A_115 = tpu.memref_slice %arg3[%run_scoped3A_84, %min3A_83, %dma_wait3A_114] : memref<2x4096x80xi32, #tpu.memory_space<hbm>> -> memref<1x1x80xi32, #tpu.memory_space<hbm>>
        %dma_wait3A_116 = tpu.memref_squeeze %dma_wait3A_115 : memref<1x1x80xi32, #tpu.memory_space<hbm>> -> memref<80xi32, #tpu.memory_space<hbm>>
        tpu.wait_dma2 semaphore(%run_scoped3A_104 : memref<!tpu.dma_semaphore, #tpu.memory_space<semaphore_mem>>) src(%dma_wait3A_116 : memref<80xi32, #tpu.memory_space<hbm>>) dst(%arg10 : memref<80xi32, #tpu.memory_space<vmem>>)
        tpu.yield
      }) : () -> ()
      %run_scoped3A_85 = arith.constant 1 : i32
      "tpu.region"() ({
        %run_scoped3A_104 = tpu.sem_alloc : memref<!tpu.dma_semaphore, #tpu.memory_space<semaphore_mem>>
        %dma_start3A_105 = arith.constant 0 : i32
        %dma_start3A_106 = tpu.memref_slice %arg3[%run_scoped3A_85, %min3A_83, %dma_start3A_105] : memref<2x4096x80xi32, #tpu.memory_space<hbm>> -> memref<1x1x80xi32, #tpu.memory_space<hbm>>
        %dma_start3A_107 = tpu.memref_squeeze %dma_start3A_106 : memref<1x1x80xi32, #tpu.memory_space<hbm>> -> memref<80xi32, #tpu.memory_space<hbm>>
        %dma_start3A_108 = arith.constant 0 : i32
        %dma_start3A_109 = tpu.memref_slice %arg3[%run_scoped3A_85, %min3A_83, %dma_start3A_108] : memref<2x4096x80xi32, #tpu.memory_space<hbm>> -> memref<1x1x80xi32, #tpu.memory_space<hbm>>
        %dma_start3A_110 = tpu.memref_squeeze %dma_start3A_109 : memref<1x1x80xi32, #tpu.memory_space<hbm>> -> memref<80xi32, #tpu.memory_space<hbm>>
        tpu.enqueue_dma source(%dma_start3A_110 : memref<80xi32, #tpu.memory_space<hbm>>) target(%arg14 : memref<80xi32, #tpu.memory_space<vmem>>) target_semaphore(%run_scoped3A_104 : memref<!tpu.dma_semaphore, #tpu.memory_space<semaphore_mem>>)
        %dma_wait3A_111 = arith.constant 0 : i32
        %dma_wait3A_112 = tpu.memref_slice %arg3[%run_scoped3A_85, %min3A_83, %dma_wait3A_111] : memref<2x4096x80xi32, #tpu.memory_space<hbm>> -> memref<1x1x80xi32, #tpu.memory_space<hbm>>
        %dma_wait3A_113 = tpu.memref_squeeze %dma_wait3A_112 : memref<1x1x80xi32, #tpu.memory_space<hbm>> -> memref<80xi32, #tpu.memory_space<hbm>>
        %dma_wait3A_114 = arith.constant 0 : i32
        %dma_wait3A_115 = tpu.memref_slice %arg3[%run_scoped3A_85, %min3A_83, %dma_wait3A_114] : memref<2x4096x80xi32, #tpu.memory_space<hbm>> -> memref<1x1x80xi32, #tpu.memory_space<hbm>>
        %dma_wait3A_116 = tpu.memref_squeeze %dma_wait3A_115 : memref<1x1x80xi32, #tpu.memory_space<hbm>> -> memref<80xi32, #tpu.memory_space<hbm>>
        tpu.wait_dma2 semaphore(%run_scoped3A_104 : memref<!tpu.dma_semaphore, #tpu.memory_space<semaphore_mem>>) src(%dma_wait3A_116 : memref<80xi32, #tpu.memory_space<hbm>>) dst(%arg14 : memref<80xi32, #tpu.memory_space<vmem>>)
        tpu.yield
      }) : () -> ()
      %dma_start3A_86 = arith.constant 0 : i32
      %dma_start3A_87 = arith.constant 0 : i32
      %dma_start3A_88 = tpu.memref_slice %arg2[%dma_start3A_86, %dma_start3A_87] : memref<10000x128xf32, #tpu.memory_space<hbm>> -> memref<10000x128xf32, #tpu.memory_space<hbm>>
      tpu.enqueue_indirect_dma source(%dma_start3A_88 : memref<10000x128xf32, #tpu.memory_space<hbm>>) target(%arg18 : memref<80x128xf32, #tpu.memory_space<vmem>>) offsets(%arg10 : memref<80xi32, #tpu.memory_space<vmem>>) semaphore(%arg25 : memref<!tpu.dma_semaphore, #tpu.memory_space<semaphore_mem>>)
      "tpu.region"() ({
        %run_scoped3A_104 = tpu.sem_alloc : memref<!tpu.dma_semaphore, #tpu.memory_space<semaphore_mem>>
        %dma_start3A_105 = arith.constant 0 : i32
        %dma_start3A_106 = arith.constant 0 : i32
        %dma_start3A_107 = tpu.memref_slice %arg22[%dma_start3A_105, %dma_start3A_106] : memref<10240x128xf32, #tpu.memory_space<vmem_shared>> -> memref<10240x128xf32, #tpu.memory_space<vmem_shared>>
        tpu.enqueue_indirect_dma source(%arg19 : memref<80x128xf32, #tpu.memory_space<vmem>>) target(%dma_start3A_107 : memref<10240x128xf32, #tpu.memory_space<vmem_shared>>) offsets(%arg15 : memref<80xi32, #tpu.memory_space<vmem>>) semaphore(%run_scoped3A_104 : memref<!tpu.dma_semaphore, #tpu.memory_space<semaphore_mem>>) {add = true}
        %dma_wait3A_108 = arith.constant 0 : i32
        %dma_wait3A_109 = arith.constant 0 : i32
        %dma_wait3A_110 = tpu.memref_slice %arg22[%dma_wait3A_108, %dma_wait3A_109] : memref<10240x128xf32, #tpu.memory_space<vmem_shared>> -> memref<10240x128xf32, #tpu.memory_space<vmem_shared>>
        tpu.wait_indirect_dma semaphore(%run_scoped3A_104 : memref<!tpu.dma_semaphore, #tpu.memory_space<semaphore_mem>>) src(%arg19 : memref<80x128xf32, #tpu.memory_space<vmem>>) dst(%dma_wait3A_110 : memref<10240x128xf32, #tpu.memory_space<vmem_shared>>)
        tpu.yield
      }) : () -> ()
      "tpu.region"() ({
        %run_scoped3A_104 = tpu.sem_alloc : memref<!tpu.dma_semaphore, #tpu.memory_space<semaphore_mem>>
        %dma_start3A_105 = arith.constant 0 : i32
        %dma_start3A_106 = tpu.memref_slice %arg23[%dma_start3A_105] : memref<10240xf32, #tpu.memory_space<vmem_shared>> -> memref<10240xf32, #tpu.memory_space<vmem_shared>>
        tpu.enqueue_indirect_dma source(%arg21 : memref<80xf32, #tpu.memory_space<vmem>>) target(%dma_start3A_106 : memref<10240xf32, #tpu.memory_space<vmem_shared>>) offsets(%arg15 : memref<80xi32, #tpu.memory_space<vmem>>) semaphore(%run_scoped3A_104 : memref<!tpu.dma_semaphore, #tpu.memory_space<semaphore_mem>>) {add = true}
        %dma_wait3A_107 = arith.constant 0 : i32
        %dma_wait3A_108 = tpu.memref_slice %arg23[%dma_wait3A_107] : memref<10240xf32, #tpu.memory_space<vmem_shared>> -> memref<10240xf32, #tpu.memory_space<vmem_shared>>
        tpu.wait_indirect_dma semaphore(%run_scoped3A_104 : memref<!tpu.dma_semaphore, #tpu.memory_space<semaphore_mem>>) src(%arg21 : memref<80xf32, #tpu.memory_space<vmem>>) dst(%dma_wait3A_108 : memref<10240xf32, #tpu.memory_space<vmem_shared>>)
        tpu.yield
      }) : () -> ()
      %dma_wait3A_89 = arith.constant 0 : i32
      %dma_wait3A_90 = arith.constant 0 : i32
      %dma_wait3A_91 = tpu.memref_slice %arg2[%dma_wait3A_89, %dma_wait3A_90] : memref<10000x128xf32, #tpu.memory_space<hbm>> -> memref<10000x128xf32, #tpu.memory_space<hbm>>
      tpu.wait_indirect_dma semaphore(%arg27 : memref<!tpu.dma_semaphore, #tpu.memory_space<semaphore_mem>>) src(%dma_wait3A_91 : memref<10000x128xf32, #tpu.memory_space<hbm>>) dst(%arg20 : memref<80x128xf32, #tpu.memory_space<vmem>>)
      %add3A_92 = arith.constant 3 : i32
      %add3A_93 = arith.addi %add3A_44, %add3A_92 : i32
      %add3A_94 = arith.constant 4 : i32
      %add3A_95 = arith.addi %add3A_93, %add3A_94 : i32
      %sub3A_96 = arith.constant 1 : i32
      %sub3A_97 = arith.subi %add3A_95, %sub3A_96 : i32
      %min3A_98 = arith.minsi %sub3A_97, %sub3A_7 : i32
      %run_scoped3A_99 = arith.constant 0 : i32
      "tpu.region"() ({
        %run_scoped3A_104 = tpu.sem_alloc : memref<!tpu.dma_semaphore, #tpu.memory_space<semaphore_mem>>
        %dma_start3A_105 = arith.constant 0 : i32
        %dma_start3A_106 = tpu.memref_slice %arg3[%run_scoped3A_99, %min3A_98, %dma_start3A_105] : memref<2x4096x80xi32, #tpu.memory_space<hbm>> -> memref<1x1x80xi32, #tpu.memory_space<hbm>>
        %dma_start3A_107 = tpu.memref_squeeze %dma_start3A_106 : memref<1x1x80xi32, #tpu.memory_space<hbm>> -> memref<80xi32, #tpu.memory_space<hbm>>
        %dma_start3A_108 = arith.constant 0 : i32
        %dma_start3A_109 = tpu.memref_slice %arg3[%run_scoped3A_99, %min3A_98, %dma_start3A_108] : memref<2x4096x80xi32, #tpu.memory_space<hbm>> -> memref<1x1x80xi32, #tpu.memory_space<hbm>>
        %dma_start3A_110 = tpu.memref_squeeze %dma_start3A_109 : memref<1x1x80xi32, #tpu.memory_space<hbm>> -> memref<80xi32, #tpu.memory_space<hbm>>
        tpu.enqueue_dma source(%dma_start3A_110 : memref<80xi32, #tpu.memory_space<hbm>>) target(%arg11 : memref<80xi32, #tpu.memory_space<vmem>>) target_semaphore(%run_scoped3A_104 : memref<!tpu.dma_semaphore, #tpu.memory_space<semaphore_mem>>)
        %dma_wait3A_111 = arith.constant 0 : i32
        %dma_wait3A_112 = tpu.memref_slice %arg3[%run_scoped3A_99, %min3A_98, %dma_wait3A_111] : memref<2x4096x80xi32, #tpu.memory_space<hbm>> -> memref<1x1x80xi32, #tpu.memory_space<hbm>>
        %dma_wait3A_113 = tpu.memref_squeeze %dma_wait3A_112 : memref<1x1x80xi32, #tpu.memory_space<hbm>> -> memref<80xi32, #tpu.memory_space<hbm>>
        %dma_wait3A_114 = arith.constant 0 : i32
        %dma_wait3A_115 = tpu.memref_slice %arg3[%run_scoped3A_99, %min3A_98, %dma_wait3A_114] : memref<2x4096x80xi32, #tpu.memory_space<hbm>> -> memref<1x1x80xi32, #tpu.memory_space<hbm>>
        %dma_wait3A_116 = tpu.memref_squeeze %dma_wait3A_115 : memref<1x1x80xi32, #tpu.memory_space<hbm>> -> memref<80xi32, #tpu.memory_space<hbm>>
        tpu.wait_dma2 semaphore(%run_scoped3A_104 : memref<!tpu.dma_semaphore, #tpu.memory_space<semaphore_mem>>) src(%dma_wait3A_116 : memref<80xi32, #tpu.memory_space<hbm>>) dst(%arg11 : memref<80xi32, #tpu.memory_space<vmem>>)
        tpu.yield
      }) : () -> ()
      %run_scoped3A_100 = arith.constant 1 : i32
      "tpu.region"() ({
        %run_scoped3A_104 = tpu.sem_alloc : memref<!tpu.dma_semaphore, #tpu.memory_space<semaphore_mem>>
        %dma_start3A_105 = arith.constant 0 : i32
        %dma_start3A_106 = tpu.memref_slice %arg3[%run_scoped3A_100, %min3A_98, %dma_start3A_105] : memref<2x4096x80xi32, #tpu.memory_space<hbm>> -> memref<1x1x80xi32, #tpu.memory_space<hbm>>
        %dma_start3A_107 = tpu.memref_squeeze %dma_start3A_106 : memref<1x1x80xi32, #tpu.memory_space<hbm>> -> memref<80xi32, #tpu.memory_space<hbm>>
        %dma_start3A_108 = arith.constant 0 : i32
        %dma_start3A_109 = tpu.memref_slice %arg3[%run_scoped3A_100, %min3A_98, %dma_start3A_108] : memref<2x4096x80xi32, #tpu.memory_space<hbm>> -> memref<1x1x80xi32, #tpu.memory_space<hbm>>
        %dma_start3A_110 = tpu.memref_squeeze %dma_start3A_109 : memref<1x1x80xi32, #tpu.memory_space<hbm>> -> memref<80xi32, #tpu.memory_space<hbm>>
        tpu.enqueue_dma source(%dma_start3A_110 : memref<80xi32, #tpu.memory_space<hbm>>) target(%arg15 : memref<80xi32, #tpu.memory_space<vmem>>) target_semaphore(%run_scoped3A_104 : memref<!tpu.dma_semaphore, #tpu.memory_space<semaphore_mem>>)
        %dma_wait3A_111 = arith.constant 0 : i32
        %dma_wait3A_112 = tpu.memref_slice %arg3[%run_scoped3A_100, %min3A_98, %dma_wait3A_111] : memref<2x4096x80xi32, #tpu.memory_space<hbm>> -> memref<1x1x80xi32, #tpu.memory_space<hbm>>
        %dma_wait3A_113 = tpu.memref_squeeze %dma_wait3A_112 : memref<1x1x80xi32, #tpu.memory_space<hbm>> -> memref<80xi32, #tpu.memory_space<hbm>>
        %dma_wait3A_114 = arith.constant 0 : i32
        %dma_wait3A_115 = tpu.memref_slice %arg3[%run_scoped3A_100, %min3A_98, %dma_wait3A_114] : memref<2x4096x80xi32, #tpu.memory_space<hbm>> -> memref<1x1x80xi32, #tpu.memory_space<hbm>>
        %dma_wait3A_116 = tpu.memref_squeeze %dma_wait3A_115 : memref<1x1x80xi32, #tpu.memory_space<hbm>> -> memref<80xi32, #tpu.memory_space<hbm>>
        tpu.wait_dma2 semaphore(%run_scoped3A_104 : memref<!tpu.dma_semaphore, #tpu.memory_space<semaphore_mem>>) src(%dma_wait3A_116 : memref<80xi32, #tpu.memory_space<hbm>>) dst(%arg15 : memref<80xi32, #tpu.memory_space<vmem>>)
        tpu.yield
      }) : () -> ()
      %dma_start3A_101 = arith.constant 0 : i32
      %dma_start3A_102 = arith.constant 0 : i32
      %dma_start3A_103 = tpu.memref_slice %arg2[%dma_start3A_101, %dma_start3A_102] : memref<10000x128xf32, #tpu.memory_space<hbm>> -> memref<10000x128xf32, #tpu.memory_space<hbm>>
      tpu.enqueue_indirect_dma source(%dma_start3A_103 : memref<10000x128xf32, #tpu.memory_space<hbm>>) target(%arg19 : memref<80x128xf32, #tpu.memory_space<vmem>>) offsets(%arg11 : memref<80xi32, #tpu.memory_space<vmem>>) semaphore(%arg26 : memref<!tpu.dma_semaphore, #tpu.memory_space<semaphore_mem>>)
      "tpu.region"() ({
        %run_scoped3A_104 = tpu.sem_alloc : memref<!tpu.dma_semaphore, #tpu.memory_space<semaphore_mem>>
        %dma_start3A_105 = arith.constant 0 : i32
        %dma_start3A_106 = arith.constant 0 : i32
        %dma_start3A_107 = tpu.memref_slice %arg22[%dma_start3A_105, %dma_start3A_106] : memref<10240x128xf32, #tpu.memory_space<vmem_shared>> -> memref<10240x128xf32, #tpu.memory_space<vmem_shared>>
        tpu.enqueue_indirect_dma source(%arg20 : memref<80x128xf32, #tpu.memory_space<vmem>>) target(%dma_start3A_107 : memref<10240x128xf32, #tpu.memory_space<vmem_shared>>) offsets(%arg16 : memref<80xi32, #tpu.memory_space<vmem>>) semaphore(%run_scoped3A_104 : memref<!tpu.dma_semaphore, #tpu.memory_space<semaphore_mem>>) {add = true}
        %dma_wait3A_108 = arith.constant 0 : i32
        %dma_wait3A_109 = arith.constant 0 : i32
        %dma_wait3A_110 = tpu.memref_slice %arg22[%dma_wait3A_108, %dma_wait3A_109] : memref<10240x128xf32, #tpu.memory_space<vmem_shared>> -> memref<10240x128xf32, #tpu.memory_space<vmem_shared>>
        tpu.wait_indirect_dma semaphore(%run_scoped3A_104 : memref<!tpu.dma_semaphore, #tpu.memory_space<semaphore_mem>>) src(%arg20 : memref<80x128xf32, #tpu.memory_space<vmem>>) dst(%dma_wait3A_110 : memref<10240x128xf32, #tpu.memory_space<vmem_shared>>)
        tpu.yield
      }) : () -> ()
      "tpu.region"() ({
        %run_scoped3A_104 = tpu.sem_alloc : memref<!tpu.dma_semaphore, #tpu.memory_space<semaphore_mem>>
        %dma_start3A_105 = arith.constant 0 : i32
        %dma_start3A_106 = tpu.memref_slice %arg23[%dma_start3A_105] : memref<10240xf32, #tpu.memory_space<vmem_shared>> -> memref<10240xf32, #tpu.memory_space<vmem_shared>>
        tpu.enqueue_indirect_dma source(%arg21 : memref<80xf32, #tpu.memory_space<vmem>>) target(%dma_start3A_106 : memref<10240xf32, #tpu.memory_space<vmem_shared>>) offsets(%arg16 : memref<80xi32, #tpu.memory_space<vmem>>) semaphore(%run_scoped3A_104 : memref<!tpu.dma_semaphore, #tpu.memory_space<semaphore_mem>>) {add = true}
        %dma_wait3A_107 = arith.constant 0 : i32
        %dma_wait3A_108 = tpu.memref_slice %arg23[%dma_wait3A_107] : memref<10240xf32, #tpu.memory_space<vmem_shared>> -> memref<10240xf32, #tpu.memory_space<vmem_shared>>
        tpu.wait_indirect_dma semaphore(%run_scoped3A_104 : memref<!tpu.dma_semaphore, #tpu.memory_space<semaphore_mem>>) src(%arg21 : memref<80xf32, #tpu.memory_space<vmem>>) dst(%dma_wait3A_108 : memref<10240xf32, #tpu.memory_space<vmem_shared>>)
        tpu.yield
      }) : () -> ()
    }
    %scan3A_31 = arith.constant 32 : i32
    %dma_wait3A = arith.constant 0 : i32
    %dma_wait3A_32 = arith.constant 0 : i32
    %dma_wait3A_33 = tpu.memref_slice %arg2[%dma_wait3A, %dma_wait3A_32] : memref<10000x128xf32, #tpu.memory_space<hbm>> -> memref<10000x128xf32, #tpu.memory_space<hbm>>
    tpu.wait_indirect_dma semaphore(%arg24 : memref<!tpu.dma_semaphore, #tpu.memory_space<semaphore_mem>>) src(%dma_wait3A_33 : memref<10000x128xf32, #tpu.memory_space<hbm>>) dst(%arg17 : memref<80x128xf32, #tpu.memory_space<vmem>>)
    %dma_wait3A_34 = arith.constant 0 : i32
    %dma_wait3A_35 = arith.constant 0 : i32
    %dma_wait3A_36 = tpu.memref_slice %arg2[%dma_wait3A_34, %dma_wait3A_35] : memref<10000x128xf32, #tpu.memory_space<hbm>> -> memref<10000x128xf32, #tpu.memory_space<hbm>>
    tpu.wait_indirect_dma semaphore(%arg25 : memref<!tpu.dma_semaphore, #tpu.memory_space<semaphore_mem>>) src(%dma_wait3A_36 : memref<10000x128xf32, #tpu.memory_space<hbm>>) dst(%arg18 : memref<80x128xf32, #tpu.memory_space<vmem>>)
    %dma_wait3A_37 = arith.constant 0 : i32
    %dma_wait3A_38 = arith.constant 0 : i32
    %dma_wait3A_39 = tpu.memref_slice %arg2[%dma_wait3A_37, %dma_wait3A_38] : memref<10000x128xf32, #tpu.memory_space<hbm>> -> memref<10000x128xf32, #tpu.memory_space<hbm>>
    tpu.wait_indirect_dma semaphore(%arg26 : memref<!tpu.dma_semaphore, #tpu.memory_space<semaphore_mem>>) src(%dma_wait3A_39 : memref<10000x128xf32, #tpu.memory_space<hbm>>) dst(%arg19 : memref<80x128xf32, #tpu.memory_space<vmem>>)
    %barrier3A_40 = arith.constant 0 : index
    tpu.barrier barrier_id(%barrier3A_40)
    "tpu.region"() ({
      %run_scoped3A_41 = tpu.sem_alloc : memref<!tpu.dma_semaphore, #tpu.memory_space<semaphore_mem>>
      %dma_start3A_42 = arith.constant 0 : i32
      %dma_start3A_43 = tpu.memref_slice %arg7[%arg0, %mul3A_2, %dma_start3A_42] : memref<2x10240x128xf32, #tpu.memory_space<hbm>> -> memref<1x640x128xf32, #tpu.memory_space<hbm>>
      %dma_start3A_44 = tpu.memref_squeeze %dma_start3A_43 : memref<1x640x128xf32, #tpu.memory_space<hbm>> -> memref<640x128xf32, #tpu.memory_space<hbm>>
      %dma_start3A_45 = arith.constant 0 : i32
      %dma_start3A_46 = tpu.memref_slice %arg22[%mul3A_2, %dma_start3A_45] : memref<10240x128xf32, #tpu.memory_space<vmem_shared>> -> memref<640x128xf32, #tpu.memory_space<vmem_shared>>
      tpu.enqueue_dma source(%dma_start3A_46 : memref<640x128xf32, #tpu.memory_space<vmem_shared>>) target(%dma_start3A_44 : memref<640x128xf32, #tpu.memory_space<hbm>>) target_semaphore(%run_scoped3A_41 : memref<!tpu.dma_semaphore, #tpu.memory_space<semaphore_mem>>)
      %dma_wait3A_47 = arith.constant 0 : i32
      %dma_wait3A_48 = tpu.memref_slice %arg7[%arg0, %mul3A_2, %dma_wait3A_47] : memref<2x10240x128xf32, #tpu.memory_space<hbm>> -> memref<1x640x128xf32, #tpu.memory_space<hbm>>
      %dma_wait3A_49 = tpu.memref_squeeze %dma_wait3A_48 : memref<1x640x128xf32, #tpu.memory_space<hbm>> -> memref<640x128xf32, #tpu.memory_space<hbm>>
      %dma_wait3A_50 = arith.constant 0 : i32
      %dma_wait3A_51 = tpu.memref_slice %arg22[%mul3A_2, %dma_wait3A_50] : memref<10240x128xf32, #tpu.memory_space<vmem_shared>> -> memref<640x128xf32, #tpu.memory_space<vmem_shared>>
      tpu.wait_dma2 semaphore(%run_scoped3A_41 : memref<!tpu.dma_semaphore, #tpu.memory_space<semaphore_mem>>) src(%dma_wait3A_51 : memref<640x128xf32, #tpu.memory_space<vmem_shared>>) dst(%dma_wait3A_49 : memref<640x128xf32, #tpu.memory_space<hbm>>)
      tpu.yield
    }) : () -> ()
    "tpu.region"() ({
      %run_scoped3A_41 = tpu.sem_alloc : memref<!tpu.dma_semaphore, #tpu.memory_space<semaphore_mem>>
      %dma_start3A_42 = tpu.memref_slice %arg8[%arg0, %mul3A_2] : memref<2x10240xf32, #tpu.memory_space<hbm>> -> memref<1x640xf32, #tpu.memory_space<hbm>>
      %dma_start3A_43 = tpu.memref_squeeze %dma_start3A_42 : memref<1x640xf32, #tpu.memory_space<hbm>> -> memref<640xf32, #tpu.memory_space<hbm>>
      %dma_start3A_44 = tpu.memref_slice %arg23[%mul3A_2] : memref<10240xf32, #tpu.memory_space<vmem_shared>> -> memref<640xf32, #tpu.memory_space<vmem_shared>>
      tpu.enqueue_dma source(%dma_start3A_44 : memref<640xf32, #tpu.memory_space<vmem_shared>>) target(%dma_start3A_43 : memref<640xf32, #tpu.memory_space<hbm>>) target_semaphore(%run_scoped3A_41 : memref<!tpu.dma_semaphore, #tpu.memory_space<semaphore_mem>>)
      %dma_wait3A_45 = tpu.memref_slice %arg8[%arg0, %mul3A_2] : memref<2x10240xf32, #tpu.memory_space<hbm>> -> memref<1x640xf32, #tpu.memory_space<hbm>>
      %dma_wait3A_46 = tpu.memref_squeeze %dma_wait3A_45 : memref<1x640xf32, #tpu.memory_space<hbm>> -> memref<640xf32, #tpu.memory_space<hbm>>
      %dma_wait3A_47 = tpu.memref_slice %arg23[%mul3A_2] : memref<10240xf32, #tpu.memory_space<vmem_shared>> -> memref<640xf32, #tpu.memory_space<vmem_shared>>
      tpu.wait_dma2 semaphore(%run_scoped3A_41 : memref<!tpu.dma_semaphore, #tpu.memory_space<semaphore_mem>>) src(%dma_wait3A_47 : memref<640xf32, #tpu.memory_space<vmem_shared>>) dst(%dma_wait3A_46 : memref<640xf32, #tpu.memory_space<hbm>>)
      tpu.yield
    }) : () -> ()
    return
  }
}

module attributes {stable_mosaic.version = 14 : i64} {
  func.func @_tc_dense(%arg0: i32, %arg1: memref<1024x128xf32, #tpu.memory_space<vmem>>, %arg2: memref<2x1024x128xf32, #tpu.memory_space<vmem>>, %arg3: memref<2x1024xf32, #tpu.memory_space<vmem>>, %arg4: memref<128x128xf32, #tpu.memory_space<vmem>>, %arg5: memref<1x128xf32, #tpu.memory_space<vmem>>, %arg6: memref<128x128xf32, #tpu.memory_space<vmem>>, %arg7: memref<1x128xf32, #tpu.memory_space<vmem>>, %arg8: memref<1024x256xf32, #tpu.memory_space<vmem>>) attributes {dimension_semantics = [#tpu.dimension_semantics<arbitrary>], iteration_bounds = array<i64: 10>, scalar_prefetch = 0 : i64, scratch_operands = 0 : i64, tpu.core_type = #tpu.core_type<tc>, window_params = [{transform_indices = @transform_0, window_bounds = array<i64: 1024, 128>}, {transform_indices = @transform_1, window_bounds = array<i64: 2, 1024, 128>}, {transform_indices = @transform_2, window_bounds = array<i64: 2, 1024>}, {pipeline_mode = #tpu.pipeline_mode<synchronous>, transform_indices = @transform_3, window_bounds = array<i64: 128, 128>}, {pipeline_mode = #tpu.pipeline_mode<synchronous>, transform_indices = @transform_4, window_bounds = array<i64: 1, 128>}, {pipeline_mode = #tpu.pipeline_mode<synchronous>, transform_indices = @transform_5, window_bounds = array<i64: 128, 128>}, {pipeline_mode = #tpu.pipeline_mode<synchronous>, transform_indices = @transform_6, window_bounds = array<i64: 1, 128>}, {transform_indices = @transform_7, window_bounds = array<i64: 1024, 256>}]} {
    %get3A = arith.constant 0 : index
    %get3A_0 = arith.constant 0 : index
    %get3A_1 = vector.load %arg1[%get3A, %get3A_0] : memref<1024x128xf32, #tpu.memory_space<vmem>>, vector<1024x128xf32>
    %get3A_2 = arith.constant 0 : index
    %get3A_3 = arith.constant 0 : index
    %get3A_4 = vector.load %arg4[%get3A_2, %get3A_3] : memref<128x128xf32, #tpu.memory_space<vmem>>, vector<128x128xf32>
    %dot_general3A = arith.constant dense<0.000000e+00> : vector<1024x128xf32>
    %dot_general3A_5 = tpu.matmul %get3A_1, %get3A_4, %dot_general3A {dimension_numbers = #tpu.dot_dimension_numbers<[1], [0], [0], [1], [0, 0, 1, 1], [], []>, transpose_lhs_hint = false} : vector<1024x128xf32>, vector<128x128xf32>, vector<1024x128xf32> -> vector<1024x128xf32>
    %get3A_6 = arith.constant 0 : index
    %get3A_7 = arith.constant 0 : index
    %get3A_8 = vector.load %arg5[%get3A_6, %get3A_7] : memref<1x128xf32, #tpu.memory_space<vmem>>, vector<1x128xf32>
    %add3A = vector.broadcast %get3A_8 : vector<1x128xf32> to vector<1024x128xf32>
    %add3A_9 = arith.addf %dot_general3A_5, %add3A : vector<1024x128xf32>
    %get3A_10 = arith.constant 0 : index
    %get3A_11 = arith.constant 0 : index
    %get3A_12 = arith.constant 0 : index
    %get3A_13 = vector.load %arg2[%get3A_10, %get3A_11, %get3A_12] : memref<2x1024x128xf32, #tpu.memory_space<vmem>>, vector<1x1024x128xf32>
    %get3A_14 = vector.shape_cast %get3A_13 : vector<1x1024x128xf32> to vector<1024x128xf32>
    %get3A_15 = arith.constant 1 : index
    %get3A_16 = arith.constant 0 : index
    %get3A_17 = arith.constant 0 : index
    %get3A_18 = vector.load %arg2[%get3A_15, %get3A_16, %get3A_17] : memref<2x1024x128xf32, #tpu.memory_space<vmem>>, vector<1x1024x128xf32>
    %get3A_19 = vector.shape_cast %get3A_18 : vector<1x1024x128xf32> to vector<1024x128xf32>
    %add3A_20 = arith.addf %get3A_14, %get3A_19 : vector<1024x128xf32>
    %get3A_21 = arith.constant 0 : index
    %get3A_22 = arith.constant 0 : index
    %get3A_23 = vector.load %arg3[%get3A_21, %get3A_22] : memref<2x1024xf32, #tpu.memory_space<vmem>>, vector<1x1024xf32>
    %get3A_24 = vector.shape_cast %get3A_23 : vector<1x1024xf32> to vector<1024xf32>
    %get3A_25 = arith.constant 1 : index
    %get3A_26 = arith.constant 0 : index
    %get3A_27 = vector.load %arg3[%get3A_25, %get3A_26] : memref<2x1024xf32, #tpu.memory_space<vmem>>, vector<1x1024xf32>
    %get3A_28 = vector.shape_cast %get3A_27 : vector<1x1024xf32> to vector<1024xf32>
    %add3A_29 = arith.addf %get3A_24, %get3A_28 : vector<1024xf32>
    %max3A = arith.constant 1.000000e+00 : f32
    %max3A_30 = vector.broadcast %max3A : f32 to vector<1024xf32>
    %max3A_31 = arith.maximumf %add3A_29, %max3A_30 : vector<1024xf32>
    %div3A = arith.constant 1.000000e+00 : f32
    %div3A_32 = vector.broadcast %div3A : f32 to vector<1024xf32>
    %div3A_33 = arith.divf %div3A_32, %max3A_31 : vector<1024xf32>
    %broadcast_in_dim3A = vector.shape_cast %div3A_33 : vector<1024xf32> to vector<1024x1xf32>
    %mul3A = vector.broadcast %broadcast_in_dim3A : vector<1024x1xf32> to vector<1024x128xf32>
    %mul3A_34 = arith.mulf %add3A_20, %mul3A : vector<1024x128xf32>
    %get3A_35 = arith.constant 0 : index
    %get3A_36 = arith.constant 0 : index
    %get3A_37 = vector.load %arg6[%get3A_35, %get3A_36] : memref<128x128xf32, #tpu.memory_space<vmem>>, vector<128x128xf32>
    %dot_general3A_38 = arith.constant dense<0.000000e+00> : vector<1024x128xf32>
    %dot_general3A_39 = tpu.matmul %mul3A_34, %get3A_37, %dot_general3A_38 {dimension_numbers = #tpu.dot_dimension_numbers<[1], [0], [0], [1], [0, 0, 1, 1], [], []>, transpose_lhs_hint = false} : vector<1024x128xf32>, vector<128x128xf32>, vector<1024x128xf32> -> vector<1024x128xf32>
    %get3A_40 = arith.constant 0 : index
    %get3A_41 = arith.constant 0 : index
    %get3A_42 = vector.load %arg7[%get3A_40, %get3A_41] : memref<1x128xf32, #tpu.memory_space<vmem>>, vector<1x128xf32>
    %add3A_43 = vector.broadcast %get3A_42 : vector<1x128xf32> to vector<1024x128xf32>
    %add3A_44 = arith.addf %dot_general3A_39, %add3A_43 : vector<1024x128xf32>
    %concatenate3A = tpu.concatenate %add3A_9, %add3A_44 in 1 : vector<1024x128xf32>, vector<1024x128xf32> -> vector<1024x256xf32>
    %swap3A = arith.constant 0 : index
    %swap3A_45 = arith.constant 0 : index
    %swap3A_46 = vector.load %arg8[%swap3A, %swap3A_45] : memref<1024x256xf32, #tpu.memory_space<vmem>>, vector<1024x256xf32>
    tpu.vector_store %arg8[%swap3A, %swap3A_45], %concatenate3A {strides = array<i32>} : memref<1024x256xf32, #tpu.memory_space<vmem>>, vector<1024x256xf32>,
    return
  }
  func.func @transform_0(%arg0: i32) -> (i32, i32) {
    %c0_i32 = arith.constant 0 : i32
    %c0_i32_0 = arith.constant 0 : i32
    return %arg0, %c0_i32 : i32, i32
  }
  func.func @transform_1(%arg0: i32) -> (i32, i32, i32) {
    %c0_i32 = arith.constant 0 : i32
    %c0_i32_0 = arith.constant 0 : i32
    %c0_i32_1 = arith.constant 0 : i32
    return %c0_i32, %arg0, %c0_i32_0 : i32, i32, i32
  }
  func.func @transform_2(%arg0: i32) -> (i32, i32) {
    %c0_i32 = arith.constant 0 : i32
    %c0_i32_0 = arith.constant 0 : i32
    return %c0_i32, %arg0 : i32, i32
  }
  func.func @transform_3(%arg0: i32) -> (i32, i32) {
    %c0_i32 = arith.constant 0 : i32
    %c0_i32_0 = arith.constant 0 : i32
    %c0_i32_1 = arith.constant 0 : i32
    return %c0_i32, %c0_i32_0 : i32, i32
  }
  func.func @transform_4(%arg0: i32) -> (i32, i32) {
    %c0_i32 = arith.constant 0 : i32
    %c0_i32_0 = arith.constant 0 : i32
    %c0_i32_1 = arith.constant 0 : i32
    return %c0_i32, %c0_i32_0 : i32, i32
  }
  func.func @transform_5(%arg0: i32) -> (i32, i32) {
    %c0_i32 = arith.constant 0 : i32
    %c0_i32_0 = arith.constant 0 : i32
    %c0_i32_1 = arith.constant 0 : i32
    return %c0_i32, %c0_i32_0 : i32, i32
  }
  func.func @transform_6(%arg0: i32) -> (i32, i32) {
    %c0_i32 = arith.constant 0 : i32
    %c0_i32_0 = arith.constant 0 : i32
    %c0_i32_1 = arith.constant 0 : i32
    return %c0_i32, %c0_i32_0 : i32, i32
  }
  func.func @transform_7(%arg0: i32) -> (i32, i32) {
    %c0_i32 = arith.constant 0 : i32
    %c0_i32_0 = arith.constant 0 : i32
    return %arg0, %c0_i32 : i32, i32
  }
}

</mosaic_0001>

<sc_bundles>
// kernel: kernel.4.cloned.1.call-start
scs
__scs_entry_jumppad:
0x0: {  	(pc) =	sbr.rel $0x88, $3  }
0x1: {  	(tag) =	ssettag $0x0;
	lr =	simm.s32 $0x1  }
0x2: {  	[smem:$0x3F9B] =	sst lr;
	_ =	strace $0xD0000000  }
0x3: {  	_ = 	snop  }
0x4: {  	_ = 	snop  }
0x5: {  	_ = 	snop  }
0x6: {  	_ = 	snop  }
0x7: {  	_ = 	snop  }
__scs_overlays_trampoline_lowered:
0x8: {  	[smem:$0x3FAA] =	sst s0  }
0x9: {  	[smem:$0x3FAB] =	sst s1  }
0xa: {  	[smem:$0x3FAC] =	sst s2  }
0xb: {  	[smem:$0x3FAD] =	sst s3  }
0xc: {  	[smem:$0x3FAE] =	sst s4  }
0xd: {  	[smem:$0x3FAF] =	sst s5  }
0xe: {  	[smem:$0x3FB0] =	sst s6  }
0xf: {  	[smem:$0x3FB1] =	sst s7  }
0x10: {  	[smem:$0x3FB2] =	sst s8  }
0x11: {  	[smem:$0x3FB3] =	sst s9;
	s0 =	simm.s32 @!p0 $0x0  }
0x12: {  	s1 =	sld [smem:$0x3F99];
	s0 =	simm.s32 @p0 $0x1  }
0x13: {  	[smem:$0x3FB4] =	sst s0;
	s0 =	simm.s32 @!p1 $0x0  }
0x14: {  	s2 =	sld [smem:$0x3F98];
	s0 =	simm.s32 @p1 $0x1  }
0x15: {  	[smem:$0x3FB5] =	sst s0;
	s0 =	simm.s32 @!p2 $0x0  }
0x16: {  	s3 =	sld [smem:$0x3FDB];
	s0 =	simm.s32 @p2 $0x1  }
0x17: {  	s4 =	simm.s32 $0x1BF5;
	[smem:$0x3FB7] =	sst s0  }
0x18: {  	s0 =	sld [smem:$0x3F9A];
	_ =	swait.ge [sflag:s4], $0x0  }
0x19: {  	s7 =	sld [smem:$0x3F9B]  }
0x1a: {  	s8 =	sadd.s32 $0xFFFFE003, lr  }
0x1b: {  	s9 =	sadd.s32 $0xFFFFFEF7, lr;
	s5 =	simm.s32 $0xFFFFFFFF;
	p2 =	slt.u32 s8, $0xFFFFF086  }
0x1c: {  	p1 =	slt.u32 s9, $0xF7A;
	s5 =	simm.s32 @!p2 $0x0  }
0x1d: {  	s5 =	simm.s32 @p1 $0x1;
	p0 =	seq.s32 s7, s2  }
0x1e: {  	s7 =	smul.u32 @!p0 $0xF7A, s2;
	p2 =	seq.s32 @!p0 s5, $0x0  }
0x1f: {  	s9 =	smul.u32 $0xF7A, s1;
	s8 =	simm.s32 @!p0 $0x1BF5;
	p2 =	por !p2, p0  }
0x20: {  	[sflag:s8] =	ssyncset.s32 @!p0 $0xFFFFF086;
	s6 =	sadd.s32 @!p0 s3, s7;
	s7 =	simm.s32 @!p0 $0x108  }
0x21: {  	s3 =	sadd.s32 s3, s9;
	s6 =	sadd.s32 @!p0 $0x88, s6;
	s7 =	simm.s32 @p2 $0x1082  }
0x22: {  	[simem:s7], [sflag:s8] =	dma.local @!p0 [hbm:s6], $0xF7A  }
0x23: {  	s9 =	sor.u32 $0xD0000000, s2;
	s6 =	simm.s32 $0x108;
	_ =	swait.ge @!p0 [sflag:s8], $0x0  }
0x24: {  	s3 =	sadd.s32 $0x88, s3;
	s6 =	simm.s32 @!p1 $0x1082;
	[sflag:s4] =	ssyncset.s32 $0xFFFFF086  }
0x25: {  	[simem:s6], [sflag:s4] =	dma.local [hbm:s3], $0xF7A  }
0x26: {  	[smem:$0x3F9B] =	sst s1;
	(tag) =	ssettag s2;
	_ =	strace s9  }
0x27: {  	s1 =	sld [smem:$0x3FAB]  }
0x28: {  	s2 =	sld [smem:$0x3FAC]  }
0x29: {  	s4 =	sld [smem:$0x3FAE]  }
0x2a: {  	p0 =	seq.s32 s5, $0x0;
	s5 =	sld [smem:$0x3FAF]  }
0x2b: {  	s6 =	sld [smem:$0x3FB0]  }
0x2c: {  	s7 =	sld [smem:$0x3FB1]  }
0x2d: {  	s3 =	simm.s32 $0x108;
	s8 =	sld [smem:$0x3FB2]  }
0x2e: {  	s3 =	simm.s32 @!p0 $0x1082;
	s9 =	sld [smem:$0x3FB3]  }
0x2f: {  	lr =	sadd.s32 s0, s3;
	s0 =	sld [smem:$0x3FAA]  }
0x30: {  	s3 =	sld [smem:$0x3FAD]  }
0x31: {  	[smem:$0x3FB6] =	sst s10  }
0x32: {  	s10 =	sld [smem:$0x3FB4];
	_ =	sdelay $0x3  }
0x33: {  	p0 =	seq.s32 s10, $0x1;
	s10 =	sld [smem:$0x3FB6];
	_ =	sdelay $0x3  }
0x34: {  	[smem:$0x3FB6] =	sst s10  }
0x35: {  	s10 =	sld [smem:$0x3FB5];
	_ =	sdelay $0x3  }
0x36: {  	p1 =	seq.s32 s10, $0x1;
	s10 =	sld [smem:$0x3FB6];
	_ =	sdelay $0x3  }
0x37: {  	[smem:$0x3FB6] =	sst s10  }
0x38: {  	s10 =	sld [smem:$0x3FB7]  }
0x39: {  	_ = 	snop;
	(pc) =	sbr.ind lr, $3  }
0x3a: {  	_ = 	snop  }
0x3b: {  	_ = 	snop  }
0x3c: {  	p2 =	seq.s32 s10, $0x1;
	s10 =	sld [smem:$0x3FB6]  }
0x3d: {  	_ =	shalt  }
0x3e: {  	_ =	shalt  }
0x3f: {  	_ =	shalt  }
0x40: {  	_ =	shalt  }
0x41: {  	_ =	shalt  }
0x42: {  	_ =	shalt  }
0x43: {  	_ =	shalt  }
0x44: {  	_ =	shalt  }
0x45: {  	_ =	shalt  }
0x46: {  	_ =	shalt  }
0x47: {  	_ =	shalt  }
0x48: {  	_ =	shalt  }
0x49: {  	_ =	shalt  }
0x4a: {  	_ =	shalt  }
0x4b: {  	_ =	shalt  }
0x4c: {  	_ =	shalt  }
0x4d: {  	_ =	shalt  }
0x4e: {  	_ =	shalt  }
0x4f: {  	_ =	shalt  }
0x50: {  	_ =	shalt  }
0x51: {  	_ =	shalt  }
0x52: {  	_ =	shalt  }
0x53: {  	_ =	shalt  }
0x54: {  	_ =	shalt  }
0x55: {  	_ =	shalt  }
0x56: {  	_ =	shalt  }
0x57: {  	_ =	shalt  }
0x58: {  	_ =	shalt  }
0x59: {  	_ =	shalt  }
0x5a: {  	_ =	shalt  }
0x5b: {  	_ =	shalt  }
0x5c: {  	_ =	shalt  }
0x5d: {  	_ =	shalt  }
0x5e: {  	_ =	shalt  }
0x5f: {  	_ =	shalt  }
0x60: {  	_ =	shalt  }
0x61: {  	_ =	shalt  }
0x62: {  	_ =	shalt  }
0x63: {  	_ =	shalt  }
0x64: {  	_ =	shalt  }
0x65: {  	_ =	shalt  }
0x66: {  	_ =	shalt  }
0x67: {  	_ =	shalt  }
0x68: {  	_ =	shalt  }
0x69: {  	_ =	shalt  }
0x6a: {  	_ =	shalt  }
0x6b: {  	_ =	shalt  }
0x6c: {  	_ =	shalt  }
0x6d: {  	_ =	shalt  }
0x6e: {  	_ =	shalt  }
0x6f: {  	_ =	shalt  }
0x70: {  	_ =	shalt  }
0x71: {  	_ =	shalt  }
0x72: {  	_ =	shalt  }
0x73: {  	_ =	shalt  }
0x74: {  	_ =	shalt  }
0x75: {  	_ =	shalt  }
0x76: {  	_ =	shalt  }
0x77: {  	_ =	shalt  }
0x78: {  	_ =	shalt  }
0x79: {  	_ =	shalt  }
0x7a: {  	_ =	shalt  }
0x7b: {  	_ =	shalt  }
0x7c: {  	_ =	shalt  }
0x7d: {  	_ =	shalt  }
0x7e: {  	_ =	shalt  }
0x7f: {  	_ =	shalt  }
0x80: {  	_ =	shalt  }
0x81: {  	_ =	shalt  }
0x82: {  	_ =	shalt  }
0x83: {  	_ =	shalt  }
0x84: {  	_ =	shalt  }
0x85: {  	_ =	shalt  }
0x86: {  	_ =	shalt  }
0x87: {  	_ =	shalt  }
.Lfunc_end0:
.L_simem_size_0:
called_computation_lowered:
.L_overlay_start_0:
0x88: {  	s2 =	sld [smem:$0x3FD9]  }
0x89: {  	s3 =	sld [smem:$0x3FFE];
	_ =	sdelay $0x1  }
0x8a: {  	s1 =	srdreg.scid  }
0x8b: {  	s0 =	sand.u32 $0x1, s1  }
0x8c: {  	s17 =	sshll.u32 s0, $0xA;
	s2 =	sadd.s32 s3, s2  }
0x8d: {  	s2 =	sadd.s32 s2, s17  }
0x8e: {  	[smem:$0x3FC2] =	sst s2  }
0x8f: {  	_ = 	snop  }
0x90: {  	s2 =	sld [smem:$0x3FC9]  }
0x91: {  	s18 =	sld [smem:$0x3FD0];
	(tm) =	ssettm $0x1  }
0x92: {  	s4 =	sld [smem:$0x3FFB];
	_ =	sdelay $0x3  }
0x93: {  	_ =	strace s4  }
0x94: {  	s4 =	sld [smem:$0x3FFC];
	_ =	sdelay $0x3  }
0x95: {  	_ =	strace s4  }
0x96: {  	s4 =	sld [smem:$0x3FFD];
	_ =	sdelay $0x3  }
0x97: {  	_ =	strace s4  }
0x98: {  	_ =	strace $0x8FFFFFFF  }
0x99: {  	s19 =	sld [smem:$0x3FDB];
	_ =	sdelay $0x1  }
0x9a: {  	s5 =	simm.s32 $_scs_section_size  }
0x9b: {  	s6 =	simm.s32 $_size__tile_overlayer_lowered;
	s7 =	simm.s32 $_tile_overlayer_lowered  }
0x9c: {  	s22 =	simm.s32 $0x1BFF;
	s21 =	sshll.u32 s7, $0x1;
	s4 =	sadd.s32 s5, s19  }
0x9d: {  	s8 =	simm.s32 $0x0;
	s20 =	sshll.u32 s6, $0x1;
	s6 =	sadd.s32 s21, s4  }
0x9e: {  	[timem:s8], [sflag:s22] =	dma.local [hbm:s6], s20  }
0x9f: {  	_ =	swait.ge [sflag:s22], s20  }
0xa0: {  	s5 =	ssub.s32 $0x0, s20;
	[sflag:s22] =	ssyncset.done $0x0  }
0xa1: {  	[sflag:s22] =	ssyncadd.s32 s5;
	_ =	sdelay $0x1  }
0xa2: {  	s23 =	simm.s32 $0x1B8B  }
0xa3: {  	_ =	swait.ge [sflag:s23], $0x1  }
0xa4: {  	[sflag:s23] =	ssyncset.done $0x0  }
0xa5: {  	s25 =	simm.s32 $0x1B8E;
	s24 =	sld [smem:$0x3FFE];
	[sflag:s23] =	ssyncadd.s32 $0xFFFFFFFF  }
0xa6: {  	s26 =	simm.s32 $execute0_lowered;
	[smem:$0x3FD2] =	sst s25  }
0xa7: {  	s6 =	sshll.u32 s26, $0x1;
	_ =	strace $0x80000046;
	[dreg:$0x1] =	wrdreg $0xFFFFFFFF  }
0xa8: {  	s28 =	simm.s32 $_size_execute0_lowered;
	s4 =	sadd.s32 s4, s6;
	[dreg:$0x0] =	wrdreg $0x0  }
0xa9: {  	s6 =	sshll.u32 s28, $0x1;
	[dreg:$0x2] =	wrdreg s4  }
0xaa: {  	[dreg:$0x3] =	wrdreg s6  }
0xab: {  	[dreg:$0x4] =	wrdreg $0xC0  }
0xac: {  	_ =	task [dreg:s8], $0x5FFFF  }
0xad: {  	[dreg:$0x1] =	wrdreg $0xFFFFFFFF  }
0xae: {  	[dreg:$0x0] =	wrdreg $0x60  }
0xaf: {  	[dreg:$0x2] =	wrdreg s2  }
0xb0: {  	[dreg:$0x3] =	wrdreg s24  }
0xb1: {  	[dreg:$0x4] =	wrdreg s18  }
0xb2: {  	[dreg:$0x5] =	wrdreg $0xA4800  }
0xb3: {  	[dreg:$0x6] =	wrdreg $0x1E4800  }
0xb4: {  	[dreg:$0x7] =	wrdreg $0x9  }
0xb5: {  	_ =	task.clear_ibuf [dreg:s8], $0x8FFFF;
	_ =	strace $0x90000046  }
0xb6: {  	s29 =	simm.s32 $0x9;
	_ =	strace $0x80000048  }
0xb7: {  	_ =	swait.ge [sflag:s29], $0x1  }
0xb8: {  	[sflag:s29] =	ssyncadd.s32 $0xFFFFFFFF  }
0xb9: {  	_ =	strace $0x90000048  }
0xba: {  	_ =	sfence  }
0xbb: {  	s30 =	sld [smem:$0x0];
	_ =	sdelay $0x2  }
0xbc: {  	s31 =	sshll.u32 s1, $0xD;
	s1 =	sshrl.u32 s1, $0x2  }
0xbd: {  	s3 =	sand.u32 $0x4000, s31;
	s1 =	sadd.s32 s1, s30  }
0xbe: {  	s0 =	sor.u32 s3, s0;
	s1 =	sshll.u32 s1, $0x11  }
0xbf: {  	s0 =	sor.u32 s1, s0  }
0xc0: {  	s0 =	sadd.s32 $0x8F2B, s0  }
0xc1: {  	[sflag:s0] =	ssyncadd.remote.s32 $0x1  }
0xc2: {  	_ =	sfence.sel $0xFFFF  }
0xc3: {  	[dreg:$0x0] =	wrdreg $0xFFFFFFFF;
	(pc) =	sbr.abs _section_cstart, $3  }
0xc4: {  	[dreg:$0x1] =	wrdreg $0xFFFFFFFF  }
0xc5: {  	_ =	task.clear_ibuf [dreg:s8], $0x2FFFF;
	_ =	strace $0x9FFFFFFF  }
0xc6: {  	(tm) =	ssettm $0x7FFFFFFF  }
0xc7: {  	_ =	shalt  }
tec
execute0_lowered:
.L_overlay_start_1:
0x0: {  	(tag) =	ssettag $0x1  }
0x1: {  	s1 =	rddreg [dreg:$0x0]  }
0x2: {  	s0 =	rddreg [dreg:$0x1]  }
0x3: {  	s2 =	rddreg [dreg:$0x2]  }
0x4: {  	s3 =	rddreg [dreg:$0x3]  }
0x5: {  	s4 =	rddreg [dreg:$0x4];
	s15 =	stileid.u32  }
0x6: {  	s6 =	srdreg.scid;
	s5 =	simm.s32 $0x0;
	s29 =	simm.s32 $0x280  }
0x7: {  	s31 =	simm.s32 $0x100;
	s30 =	simm.s32 $0x400;
	s7 =	smul.u32 $0x280, s15  }
0x8: {  	s8 =	sand.u32 $0x1, s6;
	s9 =	smul.u32 $0x14000, s15;
	[smem:$0x7FF] =	sst s5  }
0x9: {  	s6 =	sadd.s32 $0x1C00, s0;
	s12 =	smul.u32 $0x500, s15;
	s13 =	sadd.s32 $0x21C00, s0  }
0xa: {  	s14 =	sshll.u32 s15, $0x7;
	s16 =	smul.u32 $0x50000, s15;
	s15 =	simm.s32 $0x2  }
0xb: {  	s10 =	smul.u32 $0x140000, s8;
	_ =	strace $0x80000047;
	[dreg:$0x6] =	wrdreg s13  }
0xc: {  	s24 =	sshll.u32 s8, $0x7;
	s25 =	sshll.u32 s8, $0xB;
	s8 =	ssub.s32 $0x2, s8  }
0xd: {  	s11 =	sshrl.u32 s7, $0x3;
	s22 =	sor.u32 s14, s25;
	s26 =	sshrl.u32 s8, $0x1  }
0xe: {  	s23 =	sadd.s32 s7, s4;
	s7 =	simm.s32 $0xA400;
	s14 =	simm.s32 $0x7C00  }
0xf: {  	s10 =	sadd.s32 s9, s10;
	s11 =	sadd.s32 s11, s0;
	s8 =	ssub.s32 s8, s26  }
0x10: {  	s26 =	sor.u32 $0x7F, s22;
	s9 =	sshrl.u32 s9, $0x3;
	[dreg:$0xf] =	wrdreg s23  }
0x11: {  	s23 =	simm.s32 $0x5;
	s10 =	sshrl.u32 s10, $0x3;
	s2 =	sadd.s32 s2, s9  }
0x12: {  	s9 =	simm.s32 $0x0;
	s13 =	sadd.s32 s10, s0;
	s10 =	sor.u32 s24, s12  }
0x13: {  	s12 =	sshll.u32 s22, $0x4;
	[dreg:$0xe] =	wrdreg s2;
	s24 =	sadd.s32 $0x21E00, s11  }
0x14: {  	s2 =	simm.s32 $0x5400;
	s28 =	sadd.s32 s6, s12;
	[dreg:$0x10] =	wrdreg s24  }
0x15: {  	s11 =	simm.s32 $0x1;
	s25 =	sadd.s32 $0x22400, s13;
	[dreg:$0x7] =	wrdreg s28  }
0x16: {  	s10 =	sshrl.u32 s10, $0x3;
	s17 =	sadd.s32 $0x10000, s28;
	[dreg:$0x11] =	wrdreg s25  }
0x17: {  	s12 =	sshrl.u32 s16, $0x2;
	s18 =	sadd.s32 $0x10, s28;
	[dreg:$0x8] =	wrdreg s17  }
0x18: {  	s24 =	simm.s32 $0x200;
	s19 =	sadd.s32 $0x10010, s28;
	[dreg:$0x9] =	wrdreg s18  }
0x19: {  	s13 =	simm.s32 $0x380;
	s20 =	sadd.s32 $0x20, s28;
	[dreg:$0xa] =	wrdreg s19  }
0x1a: {  	s0 =	sadd.s32 s10, s0;
	s10 =	sadd.s32 $0x10020, s28;
	[dreg:$0xb] =	wrdreg s20  }
0x1b: {  	s16 =	simm.s32 $0x3;
	s21 =	sadd.s32 s12, s3;
	[dreg:$0xc] =	wrdreg s10  }
0x1c: {  	s28 =	smax.u32 s8, $0x1;
	s25 =	simm.s32 $0x50;
	[dreg:$0xd] =	wrdreg s21  }
0x1d: {  	s12 =	simm.s32 $0x180;
	s0 =	sadd.s32 $0x72400, s0;
	[dreg:$0x13] =	wrdreg s28  }
0x1e: {  	s17 =	simm.s32 $0x4;
	[dreg:$0x12] =	wrdreg s0;
	s0 =	simm.s32 $0x300  }
.LBB2_1:
0x1f: {  	[dreg:$0x14] =	wrdreg s9  }
0x20: {  	s8 =	rddreg [dreg:$0x7]  }
0x21: {  	[tilespmem:s5], [sflag:$0x5] =	stream.linear.gather [hbm4b:s8+s5], $0x80, $0x38;
	[tilespmem:$0x1E700] =	vst v63  }
0x22: {  	_ =	swait.ge [sflag:s23], $0x80  }
0x23: {  	[sflag:s23] =	ssyncset.done $0x0  }
0x24: {  	s19 =	rddreg [dreg:$0x8];
	[sflag:s23] =	ssyncadd.s32 $0xFFFFFF80  }
0x25: {  	[tilespmem:s24], [sflag:$0x5] =	stream.linear.gather [hbm4b:s19+s5], $0x80, $0x38;
	[tilespmem:$0x1E700] =	vst v63  }
0x26: {  	_ =	swait.ge [sflag:s23], $0x80  }
0x27: {  	[sflag:s23] =	ssyncset.done $0x0  }
0x28: {  	s10 =	simm.s32 $0x400;
	[sflag:s23] =	ssyncadd.s32 $0xFFFFFF80  }
0x29: {  	[tilespmem:s10], [sflag:$0x1] =	stream.indirect.gather [hbm4b:s1+s25], $0x80, s5, s25, $0xb8;
	[tilespmem:$0x1E700] =	vst v63  }
0x2a: {  	s19 =	simm.s32 $0x80;
	s20 =	rddreg [dreg:$0x9]  }
0x2b: {  	[tilespmem:s19], [sflag:$0x5] =	stream.linear.gather [hbm4b:s20+s5], $0x80, $0x38;
	[tilespmem:$0x1E700] =	vst v63  }
0x2c: {  	_ =	swait.ge [sflag:s23], $0x80  }
0x2d: {  	[sflag:s23] =	ssyncset.done $0x0  }
0x2e: {  	s21 =	rddreg [dreg:$0xa];
	[sflag:s23] =	ssyncadd.s32 $0xFFFFFF80  }
0x2f: {  	[tilespmem:s29], [sflag:$0x5] =	stream.linear.gather [hbm4b:s21+s5], $0x80, $0x38;
	[tilespmem:$0x1E700] =	vst v63  }
0x30: {  	_ =	swait.ge [sflag:s23], $0x80  }
0x31: {  	[sflag:s23] =	ssyncset.done $0x0  }
0x32: {  	s20 =	simm.s32 $0x2C00;
	[sflag:s23] =	ssyncadd.s32 $0xFFFFFF80  }
0x33: {  	[tilespmem:s20], [sflag:$0x2] =	stream.indirect.gather [hbm4b:s1+s25], $0x80, s19, s25, $0xb8;
	[tilespmem:$0x1E700] =	vst v63  }
0x34: {  	s28 =	rddreg [dreg:$0xb]  }
0x35: {  	[tilespmem:s31], [sflag:$0x5] =	stream.linear.gather [hbm4b:s28+s5], $0x80, $0x38;
	[tilespmem:$0x1E700] =	vst v63  }
0x36: {  	_ =	swait.ge [sflag:s23], $0x80  }
0x37: {  	[sflag:s23] =	ssyncset.done $0x0  }
0x38: {  	s9 =	rddreg [dreg:$0xc];
	[sflag:s23] =	ssyncadd.s32 $0xFFFFFF80  }
0x39: {  	[tilespmem:s0], [sflag:$0x5] =	stream.linear.gather [hbm4b:s9+s5], $0x80, $0x38;
	[tilespmem:$0x1E700] =	vst v63  }
0x3a: {  	s18 =	stileid.u32;
	_ =	swait.ge [sflag:s23], $0x80  }
0x3b: {  	s8 =	sshll.u32 s18, $0x6;
	[sflag:s23] =	ssyncset.done $0x0;
	s21 =	rddreg [dreg:$0xd]  }
0x3c: {  	s28 =	rddreg [dreg:$0xe];
	[sflag:s23] =	ssyncadd.s32 $0xFFFFFF80;
	s18 =	sshrl.u32 s21, $0x3  }
0x3d: {  	[tilespmem:s2], [sflag:$0x3] =	stream.indirect.gather [hbm4b:s1+s25], $0x80, s31, s25, $0xb8;
	[tilespmem:$0x1E700] =	vst v63  }
0x3e: {  	s9 =	sor.u32 $0x1C05, s8;
	[dreg:$0x16] =	wrdreg s18  }
0x3f: {  	[spmem:s18], [sflag:s9] =	dma.local [hbm:s28], $0x2800  }
0x40: {  	_ =	swait.ge [sflag:s23], $0x2800;
	[dreg:$0x15] =	wrdreg s9  }
0x41: {  	s18 =	rddreg [dreg:$0xf]  }
0x42: {  	[sflag:s23] =	ssyncset.done $0x0;
	s28 =	rddreg [dreg:$0x10];
	s21 =	sshrl.u32 s18, $0x3  }
0x43: {  	[sflag:s23] =	ssyncadd.s32 $0xFFFFD800;
	[dreg:$0x17] =	wrdreg s21  }
0x44: {  	[spmem:s21], [sflag:s9] =	dma.local [hbm:s28], $0x50  }
0x45: {  	_ =	swait.ge [sflag:s23], $0x50  }
0x46: {  	[sflag:s23] =	ssyncset.done $0x0  }
0x47: {  	s21 =	rddreg [dreg:$0x6];
	[sflag:s23] =	ssyncadd.s32 $0xFFFFFFB0  }
0x48: {  	[tilespmem:s7], [sflag:$0x5] =	stream.linear.gather [hbm4b:s21+s5], $0x80, $0x38;
	[tilespmem:$0x1E700] =	vst v63  }
0x49: {  	_ =	swait.ge [sflag:s23], $0x80  }
0x4a: {  	s8 =	sadd.s32 $0xFFFFFF80, s22;
	[sflag:s23] =	ssyncset.done $0x0  }
0x4b: {  	s9 =	sadd.s32 $0x83, s8;
	[sflag:s23] =	ssyncadd.s32 $0xFFFFFF80  }
0x4c: {  	s18 =	smov.u32 s26;
	p0 =	slt.s32 s9, s26;
	[bflag:$0x0] =	sbarrier.arrive $0xFFFF  }
0x4d: {  	s18 =	smov.u32 @p0 s9;
	_ =	swait.ge [sflag:s11], $0x2800  }
0x4e: {  	s9 =	sshll.u32 s18, $0x4;
	[sflag:s11] =	ssyncset.done $0x0  }
0x4f: {  	s18 =	sshll.u32 s18, $0x7;
	s9 =	sadd.s32 s6, s9;
	[sflag:s11] =	ssyncadd.s32 $0xFFFFD800  }
0x50: {  	[tilespmem:s12], [sflag:$0x5] =	stream.linear.gather [hbm4b:s9+s5], $0x80, $0x38;
	[tilespmem:$0x1E700] =	vst v63  }
0x51: {  	s28 =	sadd.s32 $0x80000, s18;
	_ =	swait.ge [sflag:s23], $0x80  }
0x52: {  	s9 =	sshrl.u32 s28, $0x3;
	[sflag:s23] =	ssyncset.done $0x0  }
0x53: {  	s9 =	sadd.s32 s6, s9;
	[sflag:s23] =	ssyncadd.s32 $0xFFFFFF80  }
0x54: {  	[tilespmem:s13], [sflag:$0x5] =	stream.linear.gather [hbm4b:s9+s5], $0x80, $0x38;
	[tilespmem:$0x1E700] =	vst v63  }
0x55: {  	_ =	swait.ge [sflag:s23], $0x80  }
0x56: {  	[sflag:s23] =	ssyncset.done $0x0  }
0x57: {  	[sflag:s23] =	ssyncadd.s32 $0xFFFFFF80  }
0x58: {  	[tilespmem:s14], [sflag:$0x4] =	stream.indirect.gather [hbm4b:s1+s25], $0x80, s12, s25, $0xb8;
	[tilespmem:$0x1E700] =	vst v63  }
0x59: {  	_ = 	snop  }
0x5a: {  	[spmem:s3] =	stream.indirect.scatter.add.f32 [tilespmem:s10], [sflag:$0x5], $0x80, s24, s25, $0xb8;
	[tilespmem:$0x1E700] =	vst v63  }
0x5b: {  	_ =	swait.ge [sflag:s23], $0x2800  }
0x5c: {  	[sflag:s23] =	ssyncset.done $0x0  }
0x5d: {  	[sflag:s23] =	ssyncadd.s32 $0xFFFFD800  }
0x5e: {  	[spmem:s4] =	stream.indirect.scatter.add.f32 [tilespmem:s7], [sflag:$0x5], $0x1, s24, s25, $0xb8;
	[tilespmem:$0x1E700] =	vst v63  }
0x5f: {  	_ =	swait.ge [sflag:s23], $0x50  }
0x60: {  	s9 =	sadd.s32 $0x84, s8;
	[sflag:s23] =	ssyncset.done $0x0  }
0x61: {  	s18 =	smov.u32 s26;
	p0 =	slt.s32 s9, s26;
	[sflag:s23] =	ssyncadd.s32 $0xFFFFFFB0  }
0x62: {  	s18 =	smov.u32 @p0 s9;
	_ =	swait.ge [sflag:s15], $0x2800  }
0x63: {  	s9 =	sshll.u32 s18, $0x4;
	[sflag:s15] =	ssyncset.done $0x0  }
0x64: {  	s18 =	sshll.u32 s18, $0x7;
	s9 =	sadd.s32 s6, s9;
	[sflag:s15] =	ssyncadd.s32 $0xFFFFD800  }
0x65: {  	[tilespmem:s5], [sflag:$0x5] =	stream.linear.gather [hbm4b:s9+s5], $0x80, $0x38;
	[tilespmem:$0x1E700] =	vst v63  }
0x66: {  	s18 =	sadd.s32 $0x80000, s18;
	_ =	swait.ge [sflag:s23], $0x80  }
0x67: {  	s9 =	sshrl.u32 s18, $0x3;
	[sflag:s23] =	ssyncset.done $0x0  }
0x68: {  	s9 =	sadd.s32 s6, s9;
	[sflag:s23] =	ssyncadd.s32 $0xFFFFFF80  }
0x69: {  	[tilespmem:s24], [sflag:$0x5] =	stream.linear.gather [hbm4b:s9+s5], $0x80, $0x38;
	[tilespmem:$0x1E700] =	vst v63  }
0x6a: {  	_ =	swait.ge [sflag:s23], $0x80  }
0x6b: {  	[sflag:s23] =	ssyncset.done $0x0  }
0x6c: {  	[sflag:s23] =	ssyncadd.s32 $0xFFFFFF80  }
0x6d: {  	[tilespmem:s10], [sflag:$0x1] =	stream.indirect.gather [hbm4b:s1+s25], $0x80, s5, s25, $0xb8;
	[tilespmem:$0x1E700] =	vst v63  }
0x6e: {  	_ = 	snop  }
0x6f: {  	[spmem:s3] =	stream.indirect.scatter.add.f32 [tilespmem:s20], [sflag:$0x5], $0x80, s29, s25, $0xb8;
	[tilespmem:$0x1E700] =	vst v63  }
0x70: {  	_ =	swait.ge [sflag:s23], $0x2800  }
0x71: {  	[sflag:s23] =	ssyncset.done $0x0  }
0x72: {  	[sflag:s23] =	ssyncadd.s32 $0xFFFFD800  }
0x73: {  	[spmem:s4] =	stream.indirect.scatter.add.f32 [tilespmem:s7], [sflag:$0x5], $0x1, s29, s25, $0xb8;
	[tilespmem:$0x1E700] =	vst v63  }
0x74: {  	_ =	swait.ge [sflag:s23], $0x50  }
0x75: {  	s9 =	sadd.s32 $0x85, s8;
	[sflag:s23] =	ssyncset.done $0x0  }
0x76: {  	s18 =	smov.u32 s26;
	p0 =	slt.s32 s9, s26;
	[sflag:s23] =	ssyncadd.s32 $0xFFFFFFB0  }
0x77: {  	s18 =	smov.u32 @p0 s9;
	_ =	swait.ge [sflag:s16], $0x2800  }
0x78: {  	s9 =	sshll.u32 s18, $0x4;
	[sflag:s16] =	ssyncset.done $0x0  }
0x79: {  	s18 =	sshll.u32 s18, $0x7;
	s9 =	sadd.s32 s6, s9;
	[sflag:s16] =	ssyncadd.s32 $0xFFFFD800  }
0x7a: {  	[tilespmem:s19], [sflag:$0x5] =	stream.linear.gather [hbm4b:s9+s5], $0x80, $0x38;
	[tilespmem:$0x1E700] =	vst v63  }
0x7b: {  	s21 =	sadd.s32 $0x80000, s18;
	_ =	swait.ge [sflag:s23], $0x80  }
0x7c: {  	s9 =	sshrl.u32 s21, $0x3;
	[sflag:s23] =	ssyncset.done $0x0  }
0x7d: {  	s9 =	sadd.s32 s6, s9;
	[sflag:s23] =	ssyncadd.s32 $0xFFFFFF80  }
0x7e: {  	[tilespmem:s29], [sflag:$0x5] =	stream.linear.gather [hbm4b:s9+s5], $0x80, $0x38;
	[tilespmem:$0x1E700] =	vst v63  }
0x7f: {  	_ =	swait.ge [sflag:s23], $0x80  }
0x80: {  	[sflag:s23] =	ssyncset.done $0x0  }
0x81: {  	[sflag:s23] =	ssyncadd.s32 $0xFFFFFF80  }
0x82: {  	[tilespmem:s20], [sflag:$0x2] =	stream.indirect.gather [hbm4b:s1+s25], $0x80, s19, s25, $0xb8;
	[tilespmem:$0x1E700] =	vst v63  }
0x83: {  	_ = 	snop  }
0x84: {  	[spmem:s3] =	stream.indirect.scatter.add.f32 [tilespmem:s2], [sflag:$0x5], $0x80, s0, s25, $0xb8;
	[tilespmem:$0x1E700] =	vst v63  }
0x85: {  	_ =	swait.ge [sflag:s23], $0x2800  }
0x86: {  	[sflag:s23] =	ssyncset.done $0x0  }
0x87: {  	[sflag:s23] =	ssyncadd.s32 $0xFFFFD800  }
0x88: {  	[spmem:s4] =	stream.indirect.scatter.add.f32 [tilespmem:s7], [sflag:$0x5], $0x1, s0, s25, $0xb8;
	[tilespmem:$0x1E700] =	vst v63  }
0x89: {  	_ =	swait.ge [sflag:s23], $0x50  }
0x8a: {  	s8 =	sadd.s32 $0x86, s8;
	[sflag:s23] =	ssyncset.done $0x0  }
0x8b: {  	p0 =	slt.s32 s8, s26;
	s9 =	smov.u32 s26;
	[sflag:s23] =	ssyncadd.s32 $0xFFFFFFB0  }
0x8c: {  	s9 =	smov.u32 @p0 s8;
	_ =	swait.ge [sflag:s17], $0x2800  }
0x8d: {  	s8 =	sshll.u32 s9, $0x4;
	[sflag:s17] =	ssyncset.done $0x0  }
0x8e: {  	s9 =	sshll.u32 s9, $0x7;
	s8 =	sadd.s32 s6, s8;
	[sflag:s17] =	ssyncadd.s32 $0xFFFFD800  }
0x8f: {  	[tilespmem:s31], [sflag:$0x5] =	stream.linear.gather [hbm4b:s8+s5], $0x80, $0x38;
	[tilespmem:$0x1E700] =	vst v63  }
0x90: {  	s28 =	sadd.s32 $0x80000, s9;
	_ =	swait.ge [sflag:s23], $0x80  }
0x91: {  	s8 =	sshrl.u32 s28, $0x3;
	[sflag:s23] =	ssyncset.done $0x0  }
0x92: {  	s8 =	sadd.s32 s6, s8;
	[sflag:s23] =	ssyncadd.s32 $0xFFFFFF80  }
0x93: {  	[tilespmem:s0], [sflag:$0x5] =	stream.linear.gather [hbm4b:s8+s5], $0x80, $0x38;
	[tilespmem:$0x1E700] =	vst v63  }
0x94: {  	_ =	swait.ge [sflag:s23], $0x80  }
0x95: {  	[sflag:s23] =	ssyncset.done $0x0  }
0x96: {  	[sflag:s23] =	ssyncadd.s32 $0xFFFFFF80  }
0x97: {  	[tilespmem:s2], [sflag:$0x3] =	stream.indirect.gather [hbm4b:s1+s25], $0x80, s31, s25, $0xb8;
	[tilespmem:$0x1E700] =	vst v63  }
0x98: {  	_ = 	snop  }
0x99: {  	[spmem:s3] =	stream.indirect.scatter.add.f32 [tilespmem:s14], [sflag:$0x5], $0x80, s13, s25, $0xb8;
	[tilespmem:$0x1E700] =	vst v63  }
0x9a: {  	_ =	swait.ge [sflag:s23], $0x2800  }
0x9b: {  	[sflag:s23] =	ssyncset.done $0x0  }
0x9c: {  	[sflag:s23] =	ssyncadd.s32 $0xFFFFD800  }
0x9d: {  	[spmem:s4] =	stream.indirect.scatter.add.f32 [tilespmem:s7], [sflag:$0x5], $0x1, s13, s25, $0xb8;
	[tilespmem:$0x1E700] =	vst v63  }
0x9e: {  	s21 =	simm.s32 $0xFFFFFF88;
	s20 =	sadd.s32 $0xFFFFFF84, s22;
	_ =	swait.ge [sflag:s23], $0x50  }
0x9f: {  	s19 =	sadd.s32 $0x84, s20;
	s8 =	sadd.s32 $0x83, s20;
	[sflag:s23] =	ssyncset.done $0x0  }
.LBB2_2:
0xa0: {  	p0 =	slt.s32 s8, s26;
	s9 =	sadd.s32 $0x85, s20;
	[sflag:s23] =	ssyncadd.s32 $0xFFFFFFB0  }
0xa1: {  	s28 =	smov.u32 s21;
	s18 =	smov.u32 s26;
	s20 =	sadd.s32 $0x86, s20  }
0xa2: {  	_ =	swait.ge [sflag:s11], $0x2800;
	s18 =	smov.u32 @p0 s8;
	p0 =	slt.s32 s9, s26  }
0xa3: {  	[sflag:s11] =	ssyncset.done $0x0;
	s8 =	sshll.u32 s18, $0x7;
	s18 =	sshll.u32 s18, $0x4  }
0xa4: {  	[sflag:s11] =	ssyncadd.s32 $0xFFFFD800;
	s18 =	sadd.s32 s6, s18;
	s8 =	sadd.s32 $0x80000, s8  }
0xa5: {  	[tilespmem:s12], [sflag:$0x5] =	stream.linear.gather [hbm4b:s18+s5], $0x80, $0x38;
	[tilespmem:$0x1E700] =	vst v63  }
0xa6: {  	p1 =	slt.s32 s20, s26;
	s18 =	smov.u32 s26  }
0xa7: {  	s8 =	sshrl.u32 s8, $0x3;
	_ =	swait.ge [sflag:s23], $0x80;
	s18 =	smov.u32 @p0 s9  }
0xa8: {  	[sflag:s23] =	ssyncset.done $0x0;
	s9 =	sshll.u32 s18, $0x7;
	s18 =	sshll.u32 s18, $0x4  }
0xa9: {  	s8 =	sadd.s32 s6, s8;
	[sflag:s23] =	ssyncadd.s32 $0xFFFFFF80;
	s9 =	sadd.s32 $0x80000, s9  }
0xaa: {  	[tilespmem:s13], [sflag:$0x5] =	stream.linear.gather [hbm4b:s8+s5], $0x80, $0x38;
	[tilespmem:$0x1E700] =	vst v63  }
0xab: {  	p0 =	sne.s32 s21, $0xFFFFFFFC;
	s8 =	sshrl.u32 s9, $0x3;
	_ =	swait.ge [sflag:s23], $0x80  }
0xac: {  	s9 =	sadd.s32 $0x4, s21;
	s21 =	smov.u32 s26;
	[sflag:s23] =	ssyncset.done $0x0  }
0xad: {  	s21 =	smov.u32 @p1 s20;
	[sflag:s23] =	ssyncadd.s32 $0xFFFFFF80  }
0xae: {  	[tilespmem:s14], [sflag:$0x4] =	stream.indirect.gather [hbm4b:s1+s25], $0x80, s12, s25, $0xb8;
	[tilespmem:$0x1E700] =	vst v63  }
0xaf: {  	s20 =	sshll.u32 s21, $0x7;
	s21 =	sshll.u32 s21, $0x4  }
0xb0: {  	[spmem:s3] =	stream.indirect.scatter.add.f32 [tilespmem:s30], [sflag:$0x5], $0x80, s24, s25, $0xb8;
	[tilespmem:$0x1E700] =	vst v63  }
0xb1: {  	s20 =	sadd.s32 $0x80000, s20;
	_ =	swait.ge [sflag:s23], $0x2800  }
0xb2: {  	s20 =	sshrl.u32 s20, $0x3;
	[sflag:s23] =	ssyncset.done $0x0  }
0xb3: {  	[sflag:s23] =	ssyncadd.s32 $0xFFFFD800  }
0xb4: {  	[spmem:s4] =	stream.indirect.scatter.add.f32 [tilespmem:s7], [sflag:$0x5], $0x1, s24, s25, $0xb8;
	[tilespmem:$0x1E700] =	vst v63  }
0xb5: {  	_ =	swait.ge [sflag:s23], $0x50  }
0xb6: {  	[sflag:s23] =	ssyncset.done $0x0  }
0xb7: {  	s10 =	smov.u32 s26;
	p1 =	slt.s32 s19, s26;
	[sflag:s23] =	ssyncadd.s32 $0xFFFFFFB0  }
0xb8: {  	s10 =	smov.u32 @p1 s19;
	_ =	swait.ge [sflag:s15], $0x2800  }
0xb9: {  	s19 =	sshll.u32 s10, $0x7;
	s10 =	sshll.u32 s10, $0x4;
	[sflag:s15] =	ssyncset.done $0x0  }
0xba: {  	s10 =	sadd.s32 s6, s10;
	s19 =	sadd.s32 $0x80000, s19;
	[sflag:s15] =	ssyncadd.s32 $0xFFFFD800  }
0xbb: {  	[tilespmem:s5], [sflag:$0x5] =	stream.linear.gather [hbm4b:s10+s5], $0x80, $0x38;
	[tilespmem:$0x1E700] =	vst v63  }
0xbc: {  	s10 =	sshrl.u32 s19, $0x3;
	_ =	swait.ge [sflag:s23], $0x80  }
0xbd: {  	[sflag:s23] =	ssyncset.done $0x0  }
0xbe: {  	s10 =	sadd.s32 s6, s10;
	[sflag:s23] =	ssyncadd.s32 $0xFFFFFF80  }
0xbf: {  	[tilespmem:s24], [sflag:$0x5] =	stream.linear.gather [hbm4b:s10+s5], $0x80, $0x38;
	[tilespmem:$0x1E700] =	vst v63  }
0xc0: {  	_ =	swait.ge [sflag:s23], $0x80  }
0xc1: {  	[sflag:s23] =	ssyncset.done $0x0  }
0xc2: {  	[sflag:s23] =	ssyncadd.s32 $0xFFFFFF80  }
0xc3: {  	[tilespmem:s30], [sflag:$0x1] =	stream.indirect.gather [hbm4b:s1+s25], $0x80, s5, s25, $0xb8;
	[tilespmem:$0x1E700] =	vst v63  }
0xc4: {  	s19 =	simm.s32 $0x2C00  }
0xc5: {  	[spmem:s3] =	stream.indirect.scatter.add.f32 [tilespmem:s19], [sflag:$0x5], $0x80, s29, s25, $0xb8;
	[tilespmem:$0x1E700] =	vst v63  }
0xc6: {  	_ =	swait.ge [sflag:s23], $0x2800  }
0xc7: {  	[sflag:s23] =	ssyncset.done $0x0  }
0xc8: {  	[sflag:s23] =	ssyncadd.s32 $0xFFFFD800  }
0xc9: {  	[spmem:s4] =	stream.indirect.scatter.add.f32 [tilespmem:s7], [sflag:$0x5], $0x1, s29, s25, $0xb8;
	[tilespmem:$0x1E700] =	vst v63  }
0xca: {  	_ =	swait.ge [sflag:s23], $0x50  }
0xcb: {  	[sflag:s23] =	ssyncset.done $0x0  }
0xcc: {  	[sflag:s23] =	ssyncadd.s32 $0xFFFFFFB0  }
0xcd: {  	_ =	swait.ge [sflag:s16], $0x2800  }
0xce: {  	[sflag:s16] =	ssyncset.done $0x0  }
0xcf: {  	s10 =	sadd.s32 s6, s18;
	s18 =	simm.s32 $0x80;
	[sflag:s16] =	ssyncadd.s32 $0xFFFFD800  }
0xd0: {  	[tilespmem:s18], [sflag:$0x5] =	stream.linear.gather [hbm4b:s10+s5], $0x80, $0x38;
	[tilespmem:$0x1E700] =	vst v63  }
0xd1: {  	_ =	swait.ge [sflag:s23], $0x80  }
0xd2: {  	[sflag:s23] =	ssyncset.done $0x0  }
0xd3: {  	s8 =	sadd.s32 s6, s8;
	[sflag:s23] =	ssyncadd.s32 $0xFFFFFF80  }
0xd4: {  	[tilespmem:s29], [sflag:$0x5] =	stream.linear.gather [hbm4b:s8+s5], $0x80, $0x38;
	[tilespmem:$0x1E700] =	vst v63  }
0xd5: {  	_ =	swait.ge [sflag:s23], $0x80  }
0xd6: {  	[sflag:s23] =	ssyncset.done $0x0  }
0xd7: {  	[sflag:s23] =	ssyncadd.s32 $0xFFFFFF80  }
0xd8: {  	[tilespmem:s19], [sflag:$0x2] =	stream.indirect.gather [hbm4b:s1+s25], $0x80, s18, s25, $0xb8;
	[tilespmem:$0x1E700] =	vst v63  }
0xd9: {  	_ = 	snop  }
0xda: {  	[spmem:s3] =	stream.indirect.scatter.add.f32 [tilespmem:s2], [sflag:$0x5], $0x80, s0, s25, $0xb8;
	[tilespmem:$0x1E700] =	vst v63  }
0xdb: {  	_ =	swait.ge [sflag:s23], $0x2800  }
0xdc: {  	[sflag:s23] =	ssyncset.done $0x0  }
0xdd: {  	[sflag:s23] =	ssyncadd.s32 $0xFFFFD800  }
0xde: {  	[spmem:s4] =	stream.indirect.scatter.add.f32 [tilespmem:s7], [sflag:$0x5], $0x1, s0, s25, $0xb8;
	[tilespmem:$0x1E700] =	vst v63  }
0xdf: {  	_ =	swait.ge [sflag:s23], $0x50  }
0xe0: {  	[sflag:s23] =	ssyncset.done $0x0  }
0xe1: {  	[sflag:s23] =	ssyncadd.s32 $0xFFFFFFB0  }
0xe2: {  	_ =	swait.ge [sflag:s17], $0x2800  }
0xe3: {  	[sflag:s17] =	ssyncset.done $0x0  }
0xe4: {  	s8 =	sadd.s32 s6, s21;
	[sflag:s17] =	ssyncadd.s32 $0xFFFFD800  }
0xe5: {  	[tilespmem:s31], [sflag:$0x5] =	stream.linear.gather [hbm4b:s8+s5], $0x80, $0x38;
	[tilespmem:$0x1E700] =	vst v63  }
0xe6: {  	_ =	swait.ge [sflag:s23], $0x80  }
0xe7: {  	[sflag:s23] =	ssyncset.done $0x0  }
0xe8: {  	s8 =	sadd.s32 s6, s20;
	[sflag:s23] =	ssyncadd.s32 $0xFFFFFF80  }
0xe9: {  	[tilespmem:s0], [sflag:$0x5] =	stream.linear.gather [hbm4b:s8+s5], $0x80, $0x38;
	[tilespmem:$0x1E700] =	vst v63  }
0xea: {  	_ =	swait.ge [sflag:s23], $0x80  }
0xeb: {  	[sflag:s23] =	ssyncset.done $0x0  }
0xec: {  	[sflag:s23] =	ssyncadd.s32 $0xFFFFFF80  }
0xed: {  	[tilespmem:s2], [sflag:$0x3] =	stream.indirect.gather [hbm4b:s1+s25], $0x80, s31, s25, $0xb8;
	[tilespmem:$0x1E700] =	vst v63  }
0xee: {  	_ = 	snop  }
0xef: {  	[spmem:s3] =	stream.indirect.scatter.add.f32 [tilespmem:s14], [sflag:$0x5], $0x80, s13, s25, $0xb8;
	[tilespmem:$0x1E700] =	vst v63  }
0xf0: {  	_ =	swait.ge [sflag:s23], $0x2800  }
.Ltmp0:
0xf1: {  	[sflag:s23] =	ssyncset.done $0x0;
	(pc) =	sbr.rel @p0 .LBB2_2-.Ltmp0, $4  }
0xf2: {  	[sflag:s23] =	ssyncadd.s32 $0xFFFFD800  }
0xf3: {  	[spmem:s4] =	stream.indirect.scatter.add.f32 [tilespmem:s7], [sflag:$0x5], $0x1, s13, s25, $0xb8;
	[tilespmem:$0x1E700] =	vst v63  }
0xf4: {  	s21 =	smov.u32 s9;
	s20 =	sadd.s32 s28, s22;
	_ =	swait.ge [sflag:s23], $0x50  }
0xf5: {  	s19 =	sadd.s32 $0x84, s20;
	s8 =	sadd.s32 $0x83, s20;
	[sflag:s23] =	ssyncset.done $0x0  }
0xf6: {  	p0 =	slt.s32 s8, s26;
	[sflag:s23] =	ssyncadd.s32 $0xFFFFFFB0;
	s9 =	smov.u32 s26  }
0xf7: {  	_ =	swait.ge [sflag:s11], $0x2800;
	s9 =	smov.u32 @p0 s8  }
0xf8: {  	[sflag:s11] =	ssyncset.done $0x0;
	s8 =	sshll.u32 s9, $0x4  }
0xf9: {  	s18 =	sshll.u32 s9, $0x7;
	[sflag:s11] =	ssyncadd.s32 $0xFFFFD800;
	s8 =	sadd.s32 s6, s8  }
0xfa: {  	[tilespmem:s12], [sflag:$0x5] =	stream.linear.gather [hbm4b:s8+s5], $0x80, $0x38;
	[tilespmem:$0x1E700] =	vst v63  }
0xfb: {  	s8 =	sadd.s32 $0x80000, s18;
	_ =	swait.ge [sflag:s23], $0x80  }
0xfc: {  	s8 =	sshrl.u32 s8, $0x3;
	[sflag:s23] =	ssyncset.done $0x0  }
0xfd: {  	s8 =	sadd.s32 s6, s8;
	[sflag:s23] =	ssyncadd.s32 $0xFFFFFF80  }
0xfe: {  	[tilespmem:s13], [sflag:$0x5] =	stream.linear.gather [hbm4b:s8+s5], $0x80, $0x38;
	[tilespmem:$0x1E700] =	vst v63  }
0xff: {  	_ =	swait.ge [sflag:s23], $0x80  }
0x100: {  	[sflag:s23] =	ssyncset.done $0x0  }
0x101: {  	[sflag:s23] =	ssyncadd.s32 $0xFFFFFF80  }
0x102: {  	[tilespmem:s14], [sflag:$0x4] =	stream.indirect.gather [hbm4b:s1+s25], $0x80, s12, s25, $0xb8;
	[tilespmem:$0x1E700] =	vst v63  }
0x103: {  	s10 =	simm.s32 $0x400  }
0x104: {  	[spmem:s3] =	stream.indirect.scatter.add.f32 [tilespmem:s10], [sflag:$0x5], $0x80, s24, s25, $0xb8;
	[tilespmem:$0x1E700] =	vst v63  }
0x105: {  	_ =	swait.ge [sflag:s23], $0x2800  }
0x106: {  	[sflag:s23] =	ssyncset.done $0x0  }
0x107: {  	[sflag:s23] =	ssyncadd.s32 $0xFFFFD800  }
0x108: {  	[spmem:s4] =	stream.indirect.scatter.add.f32 [tilespmem:s7], [sflag:$0x5], $0x1, s24, s25, $0xb8;
	[tilespmem:$0x1E700] =	vst v63  }
0x109: {  	_ =	swait.ge [sflag:s23], $0x50  }
0x10a: {  	[sflag:s23] =	ssyncset.done $0x0  }
0x10b: {  	p0 =	slt.s32 s19, s26;
	s8 =	smov.u32 s26;
	[sflag:s23] =	ssyncadd.s32 $0xFFFFFFB0  }
0x10c: {  	s8 =	smov.u32 @p0 s19;
	_ =	swait.ge [sflag:s15], $0x2800  }
0x10d: {  	s21 =	sshll.u32 s8, $0x4;
	[sflag:s15] =	ssyncset.done $0x0  }
0x10e: {  	s8 =	sshll.u32 s8, $0x7;
	s9 =	sadd.s32 s6, s21;
	[sflag:s15] =	ssyncadd.s32 $0xFFFFD800  }
0x10f: {  	[tilespmem:s5], [sflag:$0x5] =	stream.linear.gather [hbm4b:s9+s5], $0x80, $0x38;
	[tilespmem:$0x1E700] =	vst v63  }
0x110: {  	s8 =	sadd.s32 $0x80000, s8;
	_ =	swait.ge [sflag:s23], $0x80  }
0x111: {  	s8 =	sshrl.u32 s8, $0x3;
	[sflag:s23] =	ssyncset.done $0x0  }
0x112: {  	s8 =	sadd.s32 s6, s8;
	[sflag:s23] =	ssyncadd.s32 $0xFFFFFF80  }
0x113: {  	[tilespmem:s24], [sflag:$0x5] =	stream.linear.gather [hbm4b:s8+s5], $0x80, $0x38;
	[tilespmem:$0x1E700] =	vst v63  }
0x114: {  	_ =	swait.ge [sflag:s23], $0x80  }
0x115: {  	[sflag:s23] =	ssyncset.done $0x0  }
0x116: {  	[sflag:s23] =	ssyncadd.s32 $0xFFFFFF80  }
0x117: {  	[tilespmem:s10], [sflag:$0x1] =	stream.indirect.gather [hbm4b:s1+s25], $0x80, s5, s25, $0xb8;
	[tilespmem:$0x1E700] =	vst v63  }
0x118: {  	s18 =	simm.s32 $0x2C00  }
0x119: {  	[spmem:s3] =	stream.indirect.scatter.add.f32 [tilespmem:s18], [sflag:$0x5], $0x80, s29, s25, $0xb8;
	[tilespmem:$0x1E700] =	vst v63  }
0x11a: {  	_ =	swait.ge [sflag:s23], $0x2800  }
0x11b: {  	[sflag:s23] =	ssyncset.done $0x0  }
0x11c: {  	[sflag:s23] =	ssyncadd.s32 $0xFFFFD800  }
0x11d: {  	[spmem:s4] =	stream.indirect.scatter.add.f32 [tilespmem:s7], [sflag:$0x5], $0x1, s29, s25, $0xb8;
	[tilespmem:$0x1E700] =	vst v63  }
0x11e: {  	_ =	swait.ge [sflag:s23], $0x50  }
0x11f: {  	s8 =	sadd.s32 $0x85, s20;
	[sflag:s23] =	ssyncset.done $0x0  }
0x120: {  	s9 =	smov.u32 s26;
	p0 =	slt.s32 s8, s26;
	[sflag:s23] =	ssyncadd.s32 $0xFFFFFFB0  }
0x121: {  	s9 =	smov.u32 @p0 s8;
	_ =	swait.ge [sflag:s16], $0x2800  }
0x122: {  	s28 =	simm.s32 $0x80;
	s8 =	sshll.u32 s9, $0x4;
	[sflag:s16] =	ssyncset.done $0x0  }
0x123: {  	s9 =	sshll.u32 s9, $0x7;
	s8 =	sadd.s32 s6, s8;
	[sflag:s16] =	ssyncadd.s32 $0xFFFFD800  }
0x124: {  	[tilespmem:s28], [sflag:$0x5] =	stream.linear.gather [hbm4b:s8+s5], $0x80, $0x38;
	[tilespmem:$0x1E700] =	vst v63  }
0x125: {  	s8 =	sadd.s32 $0x80000, s9;
	_ =	swait.ge [sflag:s23], $0x80  }
0x126: {  	s8 =	sshrl.u32 s8, $0x3;
	[sflag:s23] =	ssyncset.done $0x0  }
0x127: {  	s8 =	sadd.s32 s6, s8;
	[sflag:s23] =	ssyncadd.s32 $0xFFFFFF80  }
0x128: {  	[tilespmem:s29], [sflag:$0x5] =	stream.linear.gather [hbm4b:s8+s5], $0x80, $0x38;
	[tilespmem:$0x1E700] =	vst v63  }
0x129: {  	_ =	swait.ge [sflag:s23], $0x80  }
0x12a: {  	[sflag:s23] =	ssyncset.done $0x0  }
0x12b: {  	[sflag:s23] =	ssyncadd.s32 $0xFFFFFF80  }
0x12c: {  	[tilespmem:s18], [sflag:$0x2] =	stream.indirect.gather [hbm4b:s1+s25], $0x80, s28, s25, $0xb8;
	[tilespmem:$0x1E700] =	vst v63  }
0x12d: {  	_ = 	snop  }
0x12e: {  	[spmem:s3] =	stream.indirect.scatter.add.f32 [tilespmem:s2], [sflag:$0x5], $0x80, s0, s25, $0xb8;
	[tilespmem:$0x1E700] =	vst v63  }
0x12f: {  	_ =	swait.ge [sflag:s23], $0x2800  }
0x130: {  	[sflag:s23] =	ssyncset.done $0x0  }
0x131: {  	[sflag:s23] =	ssyncadd.s32 $0xFFFFD800  }
0x132: {  	[spmem:s4] =	stream.indirect.scatter.add.f32 [tilespmem:s7], [sflag:$0x5], $0x1, s0, s25, $0xb8;
	[tilespmem:$0x1E700] =	vst v63  }
0x133: {  	_ =	swait.ge [sflag:s23], $0x50  }
0x134: {  	s8 =	sadd.s32 $0x86, s20;
	[sflag:s23] =	ssyncset.done $0x0  }
0x135: {  	s9 =	smov.u32 s26;
	p0 =	slt.s32 s8, s26;
	[sflag:s23] =	ssyncadd.s32 $0xFFFFFFB0  }
0x136: {  	s9 =	smov.u32 @p0 s8;
	_ =	swait.ge [sflag:s17], $0x2800  }
0x137: {  	s8 =	sshll.u32 s9, $0x4;
	[sflag:s17] =	ssyncset.done $0x0  }
0x138: {  	s19 =	sshll.u32 s9, $0x7;
	s8 =	sadd.s32 s6, s8;
	[sflag:s17] =	ssyncadd.s32 $0xFFFFD800  }
0x139: {  	[tilespmem:s31], [sflag:$0x5] =	stream.linear.gather [hbm4b:s8+s5], $0x80, $0x38;
	[tilespmem:$0x1E700] =	vst v63  }
0x13a: {  	s8 =	sadd.s32 $0x80000, s19;
	_ =	swait.ge [sflag:s23], $0x80  }
0x13b: {  	s8 =	sshrl.u32 s8, $0x3;
	[sflag:s23] =	ssyncset.done $0x0  }
0x13c: {  	s8 =	sadd.s32 s6, s8;
	[sflag:s23] =	ssyncadd.s32 $0xFFFFFF80  }
0x13d: {  	[tilespmem:s0], [sflag:$0x5] =	stream.linear.gather [hbm4b:s8+s5], $0x80, $0x38;
	[tilespmem:$0x1E700] =	vst v63  }
0x13e: {  	_ =	swait.ge [sflag:s23], $0x80  }
0x13f: {  	[sflag:s23] =	ssyncset.done $0x0  }
0x140: {  	[sflag:s23] =	ssyncadd.s32 $0xFFFFFF80  }
0x141: {  	[tilespmem:s2], [sflag:$0x3] =	stream.indirect.gather [hbm4b:s1+s25], $0x80, s31, s25, $0xb8;
	[tilespmem:$0x1E700] =	vst v63  }
0x142: {  	_ = 	snop  }
0x143: {  	[spmem:s3] =	stream.indirect.scatter.add.f32 [tilespmem:s14], [sflag:$0x5], $0x80, s13, s25, $0xb8;
	[tilespmem:$0x1E700] =	vst v63  }
0x144: {  	_ =	swait.ge [sflag:s23], $0x2800  }
0x145: {  	[sflag:s23] =	ssyncset.done $0x0  }
0x146: {  	[sflag:s23] =	ssyncadd.s32 $0xFFFFD800  }
0x147: {  	[spmem:s4] =	stream.indirect.scatter.add.f32 [tilespmem:s7], [sflag:$0x5], $0x1, s13, s25, $0xb8;
	[tilespmem:$0x1E700] =	vst v63  }
0x148: {  	_ =	swait.ge [sflag:s23], $0x50  }
0x149: {  	[sflag:s23] =	ssyncset.done $0x0  }
0x14a: {  	[sflag:s23] =	ssyncadd.s32 $0xFFFFFFB0  }
0x14b: {  	_ =	swait.ge [sflag:s11], $0x2800  }
0x14c: {  	[sflag:s11] =	ssyncset.done $0x0  }
0x14d: {  	[sflag:s11] =	ssyncadd.s32 $0xFFFFD800  }
0x14e: {  	_ =	swait.ge [sflag:s15], $0x2800  }
0x14f: {  	[sflag:s15] =	ssyncset.done $0x0  }
0x150: {  	[sflag:s15] =	ssyncadd.s32 $0xFFFFD800  }
0x151: {  	_ =	swait.ge [sflag:s16], $0x2800  }
0x152: {  	[sflag:s16] =	ssyncset.done $0x0  }
0x153: {  	[sflag:s16] =	ssyncadd.s32 $0xFFFFD800  }
0x154: {  	[bflag:$0x0] =	sbarrier.arrive $0xFFFF  }
0x155: {  	s20 =	rddreg [dreg:$0x11]  }
0x156: {  	s21 =	rddreg [dreg:$0x15]  }
0x157: {  	s28 =	rddreg [dreg:$0x16]  }
0x158: {  	[hbm:s20], [sflag:s21] =	dma.local [spmem:s28], $0x2800  }
0x159: {  	_ =	swait.ge [sflag:s23], $0x2800  }
0x15a: {  	s10 =	simm.s32 $0x20;
	[sflag:s23] =	ssyncset.done $0x0;
	s9 =	rddreg [dreg:$0x12]  }
0x15b: {  	s19 =	simm.s32 $0x10;
	s20 =	rddreg [dreg:$0x17];
	[sflag:s23] =	ssyncadd.s32 $0xFFFFD800  }
0x15c: {  	[hbm:s9@s10], [sflag:s21] =	dma.strided [spmem:s20@s19], $0x50, s11, $0x10   }
0x15d: {  	_ =	swait.ge [sflag:s23], $0x50  }
0x15e: {  	s21 =	rddreg [dreg:$0x14]  }
0x15f: {  	s28 =	rddreg [dreg:$0x13];
	s9 =	sadd.s32 $0x1, s21  }
0x160: {  	p0 =	sne.s32 s9, s28  }
.Ltmp1:
0x161: {  	_ = 	snop;
	(pc) =	sbr.rel @p0 .LBB2_1-.Ltmp1, $3  }
0x162: {  	_ =	sdelay $0x1  }
0x163: {  	[sflag:s23] =	ssyncset.done $0x0  }
0x164: {  	[sflag:s23] =	ssyncadd.s32 $0xFFFFFFB0  }
0x165: {  	_ =	sfence.sel $0x180000  }
0x166: {  	[bflag:$0x0] =	sbarrier.arrive $0xFFFF  }
0x167: {  	_ =	strace $0x90000047  }
0x168: {  	s0 =	stileid.u32;
	[bflag:$0x2] =	sbarrier.arrive $0xFFFF  }
0x169: {  	p0 =	sne.s32 s0, $0x0;
	s0 =	rddreg [dreg:$0x5]  }
0x16a: {  	s0 =	sadd.s32 @!p0 $0x100000, s0  }
0x16b: {  	[sflag:s0] =	ssyncadd.tile.s32 @!p0 $0x1;
	_ =	shalt  }
.Lfunc_end2:
_tile_overlayer_lowered:
.L_overlay_start_2:
0x16c: {  	(tag) =	ssettag $0x2  }
0x16d: {  	s0 =	rddreg [dreg:$0x0];
	s2 =	stileid.u32  }
0x16e: {  	s1 =	rddreg [dreg:$0x1];
	p0 =	sne.s32 s2, $0x0  }
0x16f: {  	s3 =	rddreg [dreg:$0x2];
	[bflag:$0x3] =	sbarrier.arrive $0xFFFF;
	s2 =	simm.s32 @!p0 $0x1C05  }
0x170: {  	[timem:s3], [sflag:s2] =	dma.local @!p0 [hbm:s0], s1  }
0x171: {  	s0 =	simm.s32 @!p0 $0x5  }
0x172: {  	_ =	swait.ge @!p0 [sflag:s0], s1  }
0x173: {  	s1 =	ssub.s32 @!p0 $0x0, s1;
	[sflag:s0] =	ssyncset.done @!p0 $0x0  }
0x174: {  	[sflag:s0] =	ssyncadd.s32 @!p0 s1  }
0x175: {  	[bflag:$0x3] =	sbarrier.arrive $0xFFFF  }
0x176: {  	_ =	shalt  }

</sc_bundles>
